<compile_context>
chip_gen: v7x
topology: tpu7x:2x2x1
jax: 0.10.2.dev20260603
libtpu: 0.0.44.dev20260713+nightly
codegen_flags: <defaults>
</compile_context>

<pallas_src>
import functools

import jax
import jax.numpy as jnp
from jax import lax
from jax.experimental import pallas as pl
from jax.experimental.pallas import tpu as pltpu
from jax.experimental.pallas import tpu_sc as plsc

_B = 64
_ROW = 576 * 768
_NW = 32
_CH = _ROW // _NW
_NBUF = 4
_PF = 2
_LANES = 16


def _sc_body(patch_hbm, pos_hbm, out_hbm, pos_v, bufs, in_sems, out_sems):
    wid = lax.axis_index("s") * 2 + lax.axis_index("c")
    band = wid * _CH

    pltpu.sync_copy(pos_hbm.at[pl.ds(band, _CH)], pos_v)

    def in_copy(i, k):
        return pltpu.make_async_copy(
            patch_hbm.at[pl.ds(i * _ROW + band, _CH)], bufs.at[k], in_sems.at[k]
        )

    def out_copy(i, k):
        return pltpu.make_async_copy(
            bufs.at[k], out_hbm.at[pl.ds(i * _ROW + band, _CH)], out_sems.at[k]
        )

    def add_band(k):
        def body(j, c):
            s = j * _LANES
            bufs[k, pl.ds(s, _LANES)] = (
                bufs[k, pl.ds(s, _LANES)] + pos_v[pl.ds(s, _LANES)]
            )
            return c

        lax.fori_loop(0, _CH // _LANES, body, 0)

    def step(i, k, *, prefetch=True, wait_out=True):
        in_copy(i, k).wait()
        add_band(k)
        out_copy(i, k).start()
        if prefetch:
            j = i + _PF
            kj = (k + _PF) % _NBUF
            if wait_out:
                out_copy(j - _NBUF, kj).wait()
            in_copy(j, kj).start()

    for k in range(_PF):
        in_copy(k, k).start()

    for k in range(_NBUF):
        step(k, k, wait_out=(k + _PF >= _NBUF))

    def group(g, c):
        base = g * _NBUF
        for k in range(_NBUF):
            step(base + k, k)
        return c

    lax.fori_loop(1, _B // _NBUF - 1, group, 0)

    base = _B - _NBUF
    for k in range(_NBUF):
        step(base + k, k, prefetch=(k + _PF < _NBUF))

    for k in range(_NBUF):
        out_copy(_B - _NBUF + k, k).wait()


def kernel(patch, pos_table):
    B, N, D = patch.shape
    sc_add = pl.kernel(
        _sc_body,
        out_type=jax.ShapeDtypeStruct((B * N * D,), patch.dtype),
        mesh=plsc.VectorSubcoreMesh(core_axis_name="c", subcore_axis_name="s"),
        scratch_types=[
            pltpu.VMEM((_CH,), patch.dtype),
            pltpu.VMEM((_NBUF, _CH), patch.dtype),
            pltpu.SemaphoreType.DMA((_NBUF,)),
            pltpu.SemaphoreType.DMA((_NBUF,)),
        ],
    )
    out = sc_add(patch.reshape(-1), pos_table.reshape(-1))
    return out.reshape(B, N, D)

# --- scband reference (transcript-rebuilt; emitter-appended) ---
"""Pipeline reference for scband-patch-encoder-57131654971837 (READ-ONLY COPY).

The authoritative reference and input builder live on the scoring server;
editing this copy changes nothing except your own understanding.
"""

import jax, jax.numpy as jnp
import numpy as np

NUM_PATCHES = 576
PROJ_DIM = 768
BATCH = 64

def setup_inputs(seed: int = 0) -> dict:
    key = jax.random.key(seed)
    k1, k2 = jax.random.split(key)
    patch = jax.random.normal(k1, (BATCH, NUM_PATCHES, PROJ_DIM), dtype=jnp.float32)
    # learned position embedding table, sized per init_kwargs
    pos_table = jax.random.normal(k2, (NUM_PATCHES, PROJ_DIM), dtype=jnp.float32) * 0.02
    return {"patch": patch, "pos_table": pos_table}

def reference(patch, pos_table):
    positions = jnp.arange(NUM_PATCHES)
    pos_emb = jnp.take(pos_table, positions, axis=0)  # embedding lookup [num_patches, proj_dim]
    encoded = patch + pos_emb[None, :, :]
    return encoded

if __name__ == "__main__":
    import jax
    _d = setup_inputs()
    print(jax.jit(kernel)(*tuple(_d.values())))

</pallas_src>

<mosaic_0001>
#map = affine_map<(d0, d1) -> (0)>
module attributes {stable_mosaic.version = 14 : i64} {
  func.func @_sc_body(%arg0: i32, %arg1: i32, %arg2: memref<28311552xf32, #tpu.memory_space<hbm>>, %arg3: memref<442368xf32, #tpu.memory_space<hbm>>, %arg4: memref<28311552xf32, #tpu.memory_space<hbm>>, %arg5: memref<13824xf32, #tpu.memory_space<vmem>>, %arg6: memref<4x13824xf32, #tpu.memory_space<vmem>>, %arg7: memref<4x!tpu.dma_semaphore, #tpu.memory_space<semaphore_mem>>, %arg8: memref<4x!tpu.dma_semaphore, #tpu.memory_space<semaphore_mem>>) attributes {dimension_semantics = [#tpu.dimension_semantics<core_parallel>, #tpu.dimension_semantics<subcore_parallel>], iteration_bounds = array<i64: 2, 16>, scalar_prefetch = 0 : i64, scratch_operands = 4 : i64, tpu.core_type = #tpu.core_type<sc_vector_subcore>, window_params = [{transform_indices = #map}, {transform_indices = #map}, {transform_indices = #map}]} {
    %mul3A = arith.constant 2 : i32
    %mul3A_0 = arith.muli %arg1, %mul3A : i32
    %add3A = arith.addi %mul3A_0, %arg0 : i32
    %mul3A_1 = arith.constant 13824 : i32
    %mul3A_2 = arith.muli %add3A, %mul3A_1 : i32
    "tpu.region"() ({
      %run_scoped3A = tpu.sem_alloc : memref<!tpu.dma_semaphore, #tpu.memory_space<semaphore_mem>>
      %dma_start3A_502 = tpu.memref_slice %arg3[%mul3A_2] : memref<442368xf32, #tpu.memory_space<hbm>> -> memref<13824xf32, #tpu.memory_space<hbm>>
      %dma_start3A_503 = tpu.memref_slice %arg3[%mul3A_2] : memref<442368xf32, #tpu.memory_space<hbm>> -> memref<13824xf32, #tpu.memory_space<hbm>>
      tpu.enqueue_dma source(%dma_start3A_503 : memref<13824xf32, #tpu.memory_space<hbm>>) target(%arg5 : memref<13824xf32, #tpu.memory_space<vmem>>) target_semaphore(%run_scoped3A : memref<!tpu.dma_semaphore, #tpu.memory_space<semaphore_mem>>)
      %dma_wait3A_504 = tpu.memref_slice %arg3[%mul3A_2] : memref<442368xf32, #tpu.memory_space<hbm>> -> memref<13824xf32, #tpu.memory_space<hbm>>
      %dma_wait3A_505 = tpu.memref_slice %arg3[%mul3A_2] : memref<442368xf32, #tpu.memory_space<hbm>> -> memref<13824xf32, #tpu.memory_space<hbm>>
      tpu.wait_dma2 semaphore(%run_scoped3A : memref<!tpu.dma_semaphore, #tpu.memory_space<semaphore_mem>>) src(%dma_wait3A_505 : memref<13824xf32, #tpu.memory_space<hbm>>) dst(%arg5 : memref<13824xf32, #tpu.memory_space<vmem>>)
      tpu.yield
    }) : () -> ()
    %add3A_3 = arith.constant 0 : i32
    %add3A_4 = arith.addi %add3A_3, %mul3A_2 : i32
    %dma_start3A = arith.constant 0 : i32
    %dma_start3A_5 = arith.constant 0 : i32
    %dma_start3A_6 = arith.constant 0 : i32
    %dma_start3A_7 = tpu.memref_slice %arg6[%dma_start3A, %dma_start3A_6] : memref<4x13824xf32, #tpu.memory_space<vmem>> -> memref<1x13824xf32, #tpu.memory_space<vmem>>
    %dma_start3A_8 = tpu.memref_squeeze %dma_start3A_7 : memref<1x13824xf32, #tpu.memory_space<vmem>> -> memref<13824xf32, #tpu.memory_space<vmem>>
    %dma_start3A_9 = tpu.memref_slice %arg2[%add3A_4] : memref<28311552xf32, #tpu.memory_space<hbm>> -> memref<13824xf32, #tpu.memory_space<hbm>>
    %dma_start3A_10 = tpu.memref_slice %arg7[%dma_start3A_5] : memref<4x!tpu.dma_semaphore, #tpu.memory_space<semaphore_mem>> -> memref<1x!tpu.dma_semaphore, #tpu.memory_space<semaphore_mem>>
    %dma_start3A_11 = tpu.memref_squeeze %dma_start3A_10 : memref<1x!tpu.dma_semaphore, #tpu.memory_space<semaphore_mem>> -> memref<!tpu.dma_semaphore, #tpu.memory_space<semaphore_mem>>
    %dma_start3A_12 = arith.constant 0 : i32
    %dma_start3A_13 = tpu.memref_slice %arg6[%dma_start3A, %dma_start3A_12] : memref<4x13824xf32, #tpu.memory_space<vmem>> -> memref<1x13824xf32, #tpu.memory_space<vmem>>
    %dma_start3A_14 = tpu.memref_squeeze %dma_start3A_13 : memref<1x13824xf32, #tpu.memory_space<vmem>> -> memref<13824xf32, #tpu.memory_space<vmem>>
    %dma_start3A_15 = tpu.memref_slice %arg2[%add3A_4] : memref<28311552xf32, #tpu.memory_space<hbm>> -> memref<13824xf32, #tpu.memory_space<hbm>>
    tpu.enqueue_dma source(%dma_start3A_15 : memref<13824xf32, #tpu.memory_space<hbm>>) target(%dma_start3A_14 : memref<13824xf32, #tpu.memory_space<vmem>>) target_semaphore(%dma_start3A_11 : memref<!tpu.dma_semaphore, #tpu.memory_space<semaphore_mem>>)
    %add3A_16 = arith.constant 442368 : i32
    %add3A_17 = arith.addi %add3A_16, %mul3A_2 : i32
    %dma_start3A_18 = arith.constant 1 : i32
    %dma_start3A_19 = arith.constant 1 : i32
    %dma_start3A_20 = arith.constant 0 : i32
    %dma_start3A_21 = tpu.memref_slice %arg6[%dma_start3A_18, %dma_start3A_20] : memref<4x13824xf32, #tpu.memory_space<vmem>> -> memref<1x13824xf32, #tpu.memory_space<vmem>>
    %dma_start3A_22 = tpu.memref_squeeze %dma_start3A_21 : memref<1x13824xf32, #tpu.memory_space<vmem>> -> memref<13824xf32, #tpu.memory_space<vmem>>
    %dma_start3A_23 = tpu.memref_slice %arg2[%add3A_17] : memref<28311552xf32, #tpu.memory_space<hbm>> -> memref<13824xf32, #tpu.memory_space<hbm>>
    %dma_start3A_24 = tpu.memref_slice %arg7[%dma_start3A_19] : memref<4x!tpu.dma_semaphore, #tpu.memory_space<semaphore_mem>> -> memref<1x!tpu.dma_semaphore, #tpu.memory_space<semaphore_mem>>
    %dma_start3A_25 = tpu.memref_squeeze %dma_start3A_24 : memref<1x!tpu.dma_semaphore, #tpu.memory_space<semaphore_mem>> -> memref<!tpu.dma_semaphore, #tpu.memory_space<semaphore_mem>>
    %dma_start3A_26 = arith.constant 0 : i32
    %dma_start3A_27 = tpu.memref_slice %arg6[%dma_start3A_18, %dma_start3A_26] : memref<4x13824xf32, #tpu.memory_space<vmem>> -> memref<1x13824xf32, #tpu.memory_space<vmem>>
    %dma_start3A_28 = tpu.memref_squeeze %dma_start3A_27 : memref<1x13824xf32, #tpu.memory_space<vmem>> -> memref<13824xf32, #tpu.memory_space<vmem>>
    %dma_start3A_29 = tpu.memref_slice %arg2[%add3A_17] : memref<28311552xf32, #tpu.memory_space<hbm>> -> memref<13824xf32, #tpu.memory_space<hbm>>
    tpu.enqueue_dma source(%dma_start3A_29 : memref<13824xf32, #tpu.memory_space<hbm>>) target(%dma_start3A_28 : memref<13824xf32, #tpu.memory_space<vmem>>) target_semaphore(%dma_start3A_25 : memref<!tpu.dma_semaphore, #tpu.memory_space<semaphore_mem>>)
    %add3A_30 = arith.constant 0 : i32
    %add3A_31 = arith.addi %add3A_30, %mul3A_2 : i32
    %dma_wait3A = arith.constant 0 : i32
    %dma_wait3A_32 = arith.constant 0 : i32
    %dma_wait3A_33 = arith.constant 0 : i32
    %dma_wait3A_34 = tpu.memref_slice %arg6[%dma_wait3A, %dma_wait3A_33] : memref<4x13824xf32, #tpu.memory_space<vmem>> -> memref<1x13824xf32, #tpu.memory_space<vmem>>
    %dma_wait3A_35 = tpu.memref_squeeze %dma_wait3A_34 : memref<1x13824xf32, #tpu.memory_space<vmem>> -> memref<13824xf32, #tpu.memory_space<vmem>>
    %dma_wait3A_36 = tpu.memref_slice %arg2[%add3A_31] : memref<28311552xf32, #tpu.memory_space<hbm>> -> memref<13824xf32, #tpu.memory_space<hbm>>
    %dma_wait3A_37 = tpu.memref_slice %arg7[%dma_wait3A_32] : memref<4x!tpu.dma_semaphore, #tpu.memory_space<semaphore_mem>> -> memref<1x!tpu.dma_semaphore, #tpu.memory_space<semaphore_mem>>
    %dma_wait3A_38 = tpu.memref_squeeze %dma_wait3A_37 : memref<1x!tpu.dma_semaphore, #tpu.memory_space<semaphore_mem>> -> memref<!tpu.dma_semaphore, #tpu.memory_space<semaphore_mem>>
    %dma_wait3A_39 = arith.constant 0 : i32
    %dma_wait3A_40 = tpu.memref_slice %arg6[%dma_wait3A, %dma_wait3A_39] : memref<4x13824xf32, #tpu.memory_space<vmem>> -> memref<1x13824xf32, #tpu.memory_space<vmem>>
    %dma_wait3A_41 = tpu.memref_squeeze %dma_wait3A_40 : memref<1x13824xf32, #tpu.memory_space<vmem>> -> memref<13824xf32, #tpu.memory_space<vmem>>
    %dma_wait3A_42 = tpu.memref_slice %arg2[%add3A_31] : memref<28311552xf32, #tpu.memory_space<hbm>> -> memref<13824xf32, #tpu.memory_space<hbm>>
    tpu.wait_dma2 semaphore(%dma_wait3A_38 : memref<!tpu.dma_semaphore, #tpu.memory_space<semaphore_mem>>) src(%dma_wait3A_42 : memref<13824xf32, #tpu.memory_space<hbm>>) dst(%dma_wait3A_41 : memref<13824xf32, #tpu.memory_space<vmem>>)
    %scan3A = arith.constant 0 : i32
    %scan3A_43 = arith.constant 0 : i32
    %scan3A_44 = arith.constant 864 : i32
    %scan3A_45 = arith.addi %scan3A_43, %scan3A_44 : i32
    %scan3A_46 = arith.constant 1 : i32
    scf.for %scan3A_502 = %scan3A_43 to %scan3A_45 step %scan3A_46  : i32 {
      %mul3A_503 = arith.constant 16 : i32
      %mul3A_504 = arith.muli %scan3A_502, %mul3A_503 : i32
      %get3A = arith.constant 0 : i32
      %get3A_505 = arith.index_cast %get3A : i32 to index
      %get3A_506 = arith.index_cast %mul3A_504 : i32 to index
      %get3A_507 = tpu.vector_load %arg6[%get3A_505, %get3A_506] {strides = array<i32>} : memref<4x13824xf32, #tpu.memory_space<vmem>>, vector<1x16xf32>,
      %get3A_508 = vector.shape_cast %get3A_507 : vector<1x16xf32> to vector<16xf32>
      %get3A_509 = arith.index_cast %mul3A_504 : i32 to index
      %get3A_510 = tpu.vector_load %arg5[%get3A_509] {strides = array<i32>} : memref<13824xf32, #tpu.memory_space<vmem>>, vector<16xf32>,
      %get3A_511 = vector.shape_cast %get3A_510 : vector<16xf32> to vector<16xf32>
      %add3A_512 = arith.addf %get3A_508, %get3A_511 : vector<16xf32>
      %swap3A = arith.constant 0 : i32
      %swap3A_513 = arith.index_cast %swap3A : i32 to index
      %swap3A_514 = arith.index_cast %mul3A_504 : i32 to index
      %swap3A_515 = tpu.vector_load %arg6[%swap3A_513, %swap3A_514] {strides = array<i32>} : memref<4x13824xf32, #tpu.memory_space<vmem>>, vector<1x16xf32>,
      %swap3A_516 = vector.shape_cast %swap3A_515 : vector<1x16xf32> to vector<16xf32>
      %swap3A_517 = vector.shape_cast %add3A_512 : vector<16xf32> to vector<1x16xf32>
      tpu.vector_store %arg6[%swap3A_513, %swap3A_514], %swap3A_517 {strides = array<i32>} : memref<4x13824xf32, #tpu.memory_space<vmem>>, vector<1x16xf32>,
    }
    %scan3A_47 = arith.constant 864 : i32
    %add3A_48 = arith.constant 0 : i32
    %add3A_49 = arith.addi %add3A_48, %mul3A_2 : i32
    %dma_start3A_50 = arith.constant 0 : i32
    %dma_start3A_51 = arith.constant 0 : i32
    %dma_start3A_52 = arith.constant 0 : i32
    %dma_start3A_53 = tpu.memref_slice %arg6[%dma_start3A_50, %dma_start3A_52] : memref<4x13824xf32, #tpu.memory_space<vmem>> -> memref<1x13824xf32, #tpu.memory_space<vmem>>
    %dma_start3A_54 = tpu.memref_squeeze %dma_start3A_53 : memref<1x13824xf32, #tpu.memory_space<vmem>> -> memref<13824xf32, #tpu.memory_space<vmem>>
    %dma_start3A_55 = tpu.memref_slice %arg4[%add3A_49] : memref<28311552xf32, #tpu.memory_space<hbm>> -> memref<13824xf32, #tpu.memory_space<hbm>>
    %dma_start3A_56 = tpu.memref_slice %arg8[%dma_start3A_51] : memref<4x!tpu.dma_semaphore, #tpu.memory_space<semaphore_mem>> -> memref<1x!tpu.dma_semaphore, #tpu.memory_space<semaphore_mem>>
    %dma_start3A_57 = tpu.memref_squeeze %dma_start3A_56 : memref<1x!tpu.dma_semaphore, #tpu.memory_space<semaphore_mem>> -> memref<!tpu.dma_semaphore, #tpu.memory_space<semaphore_mem>>
    %dma_start3A_58 = tpu.memref_slice %arg4[%add3A_49] : memref<28311552xf32, #tpu.memory_space<hbm>> -> memref<13824xf32, #tpu.memory_space<hbm>>
    %dma_start3A_59 = arith.constant 0 : i32
    %dma_start3A_60 = tpu.memref_slice %arg6[%dma_start3A_50, %dma_start3A_59] : memref<4x13824xf32, #tpu.memory_space<vmem>> -> memref<1x13824xf32, #tpu.memory_space<vmem>>
    %dma_start3A_61 = tpu.memref_squeeze %dma_start3A_60 : memref<1x13824xf32, #tpu.memory_space<vmem>> -> memref<13824xf32, #tpu.memory_space<vmem>>
    tpu.enqueue_dma source(%dma_start3A_61 : memref<13824xf32, #tpu.memory_space<vmem>>) target(%dma_start3A_58 : memref<13824xf32, #tpu.memory_space<hbm>>) target_semaphore(%dma_start3A_57 : memref<!tpu.dma_semaphore, #tpu.memory_space<semaphore_mem>>)
    %add3A_62 = arith.constant 884736 : i32
    %add3A_63 = arith.addi %add3A_62, %mul3A_2 : i32
    %dma_start3A_64 = arith.constant 2 : i32
    %dma_start3A_65 = arith.constant 2 : i32
    %dma_start3A_66 = arith.constant 0 : i32
    %dma_start3A_67 = tpu.memref_slice %arg6[%dma_start3A_64, %dma_start3A_66] : memref<4x13824xf32, #tpu.memory_space<vmem>> -> memref<1x13824xf32, #tpu.memory_space<vmem>>
    %dma_start3A_68 = tpu.memref_squeeze %dma_start3A_67 : memref<1x13824xf32, #tpu.memory_space<vmem>> -> memref<13824xf32, #tpu.memory_space<vmem>>
    %dma_start3A_69 = tpu.memref_slice %arg2[%add3A_63] : memref<28311552xf32, #tpu.memory_space<hbm>> -> memref<13824xf32, #tpu.memory_space<hbm>>
    %dma_start3A_70 = tpu.memref_slice %arg7[%dma_start3A_65] : memref<4x!tpu.dma_semaphore, #tpu.memory_space<semaphore_mem>> -> memref<1x!tpu.dma_semaphore, #tpu.memory_space<semaphore_mem>>
    %dma_start3A_71 = tpu.memref_squeeze %dma_start3A_70 : memref<1x!tpu.dma_semaphore, #tpu.memory_space<semaphore_mem>> -> memref<!tpu.dma_semaphore, #tpu.memory_space<semaphore_mem>>
    %dma_start3A_72 = arith.constant 0 : i32
    %dma_start3A_73 = tpu.memref_slice %arg6[%dma_start3A_64, %dma_start3A_72] : memref<4x13824xf32, #tpu.memory_space<vmem>> -> memref<1x13824xf32, #tpu.memory_space<vmem>>
    %dma_start3A_74 = tpu.memref_squeeze %dma_start3A_73 : memref<1x13824xf32, #tpu.memory_space<vmem>> -> memref<13824xf32, #tpu.memory_space<vmem>>
    %dma_start3A_75 = tpu.memref_slice %arg2[%add3A_63] : memref<28311552xf32, #tpu.memory_space<hbm>> -> memref<13824xf32, #tpu.memory_space<hbm>>
    tpu.enqueue_dma source(%dma_start3A_75 : memref<13824xf32, #tpu.memory_space<hbm>>) target(%dma_start3A_74 : memref<13824xf32, #tpu.memory_space<vmem>>) target_semaphore(%dma_start3A_71 : memref<!tpu.dma_semaphore, #tpu.memory_space<semaphore_mem>>)
    %add3A_76 = arith.constant 442368 : i32
    %add3A_77 = arith.addi %add3A_76, %mul3A_2 : i32
    %dma_wait3A_78 = arith.constant 1 : i32
    %dma_wait3A_79 = arith.constant 1 : i32
    %dma_wait3A_80 = arith.constant 0 : i32
    %dma_wait3A_81 = tpu.memref_slice %arg6[%dma_wait3A_78, %dma_wait3A_80] : memref<4x13824xf32, #tpu.memory_space<vmem>> -> memref<1x13824xf32, #tpu.memory_space<vmem>>
    %dma_wait3A_82 = tpu.memref_squeeze %dma_wait3A_81 : memref<1x13824xf32, #tpu.memory_space<vmem>> -> memref<13824xf32, #tpu.memory_space<vmem>>
    %dma_wait3A_83 = tpu.memref_slice %arg2[%add3A_77] : memref<28311552xf32, #tpu.memory_space<hbm>> -> memref<13824xf32, #tpu.memory_space<hbm>>
    %dma_wait3A_84 = tpu.memref_slice %arg7[%dma_wait3A_79] : memref<4x!tpu.dma_semaphore, #tpu.memory_space<semaphore_mem>> -> memref<1x!tpu.dma_semaphore, #tpu.memory_space<semaphore_mem>>
    %dma_wait3A_85 = tpu.memref_squeeze %dma_wait3A_84 : memref<1x!tpu.dma_semaphore, #tpu.memory_space<semaphore_mem>> -> memref<!tpu.dma_semaphore, #tpu.memory_space<semaphore_mem>>
    %dma_wait3A_86 = arith.constant 0 : i32
    %dma_wait3A_87 = tpu.memref_slice %arg6[%dma_wait3A_78, %dma_wait3A_86] : memref<4x13824xf32, #tpu.memory_space<vmem>> -> memref<1x13824xf32, #tpu.memory_space<vmem>>
    %dma_wait3A_88 = tpu.memref_squeeze %dma_wait3A_87 : memref<1x13824xf32, #tpu.memory_space<vmem>> -> memref<13824xf32, #tpu.memory_space<vmem>>
    %dma_wait3A_89 = tpu.memref_slice %arg2[%add3A_77] : memref<28311552xf32, #tpu.memory_space<hbm>> -> memref<13824xf32, #tpu.memory_space<hbm>>
    tpu.wait_dma2 semaphore(%dma_wait3A_85 : memref<!tpu.dma_semaphore, #tpu.memory_space<semaphore_mem>>) src(%dma_wait3A_89 : memref<13824xf32, #tpu.memory_space<hbm>>) dst(%dma_wait3A_88 : memref<13824xf32, #tpu.memory_space<vmem>>)
    %scan3A_90 = arith.constant 0 : i32
    %scan3A_91 = arith.constant 0 : i32
    %scan3A_92 = arith.constant 864 : i32
    %scan3A_93 = arith.addi %scan3A_91, %scan3A_92 : i32
    %scan3A_94 = arith.constant 1 : i32
    scf.for %scan3A_502 = %scan3A_91 to %scan3A_93 step %scan3A_94  : i32 {
      %mul3A_503 = arith.constant 16 : i32
      %mul3A_504 = arith.muli %scan3A_502, %mul3A_503 : i32
      %get3A = arith.constant 1 : i32
      %get3A_505 = arith.index_cast %get3A : i32 to index
      %get3A_506 = arith.index_cast %mul3A_504 : i32 to index
      %get3A_507 = tpu.vector_load %arg6[%get3A_505, %get3A_506] {strides = array<i32>} : memref<4x13824xf32, #tpu.memory_space<vmem>>, vector<1x16xf32>,
      %get3A_508 = vector.shape_cast %get3A_507 : vector<1x16xf32> to vector<16xf32>
      %get3A_509 = arith.index_cast %mul3A_504 : i32 to index
      %get3A_510 = tpu.vector_load %arg5[%get3A_509] {strides = array<i32>} : memref<13824xf32, #tpu.memory_space<vmem>>, vector<16xf32>,
      %get3A_511 = vector.shape_cast %get3A_510 : vector<16xf32> to vector<16xf32>
      %add3A_512 = arith.addf %get3A_508, %get3A_511 : vector<16xf32>
      %swap3A = arith.constant 1 : i32
      %swap3A_513 = arith.index_cast %swap3A : i32 to index
      %swap3A_514 = arith.index_cast %mul3A_504 : i32 to index
      %swap3A_515 = tpu.vector_load %arg6[%swap3A_513, %swap3A_514] {strides = array<i32>} : memref<4x13824xf32, #tpu.memory_space<vmem>>, vector<1x16xf32>,
      %swap3A_516 = vector.shape_cast %swap3A_515 : vector<1x16xf32> to vector<16xf32>
      %swap3A_517 = vector.shape_cast %add3A_512 : vector<16xf32> to vector<1x16xf32>
      tpu.vector_store %arg6[%swap3A_513, %swap3A_514], %swap3A_517 {strides = array<i32>} : memref<4x13824xf32, #tpu.memory_space<vmem>>, vector<1x16xf32>,
    }
    %scan3A_95 = arith.constant 864 : i32
    %add3A_96 = arith.constant 442368 : i32
    %add3A_97 = arith.addi %add3A_96, %mul3A_2 : i32
    %dma_start3A_98 = arith.constant 1 : i32
    %dma_start3A_99 = arith.constant 1 : i32
    %dma_start3A_100 = arith.constant 0 : i32
    %dma_start3A_101 = tpu.memref_slice %arg6[%dma_start3A_98, %dma_start3A_100] : memref<4x13824xf32, #tpu.memory_space<vmem>> -> memref<1x13824xf32, #tpu.memory_space<vmem>>
    %dma_start3A_102 = tpu.memref_squeeze %dma_start3A_101 : memref<1x13824xf32, #tpu.memory_space<vmem>> -> memref<13824xf32, #tpu.memory_space<vmem>>
    %dma_start3A_103 = tpu.memref_slice %arg4[%add3A_97] : memref<28311552xf32, #tpu.memory_space<hbm>> -> memref<13824xf32, #tpu.memory_space<hbm>>
    %dma_start3A_104 = tpu.memref_slice %arg8[%dma_start3A_99] : memref<4x!tpu.dma_semaphore, #tpu.memory_space<semaphore_mem>> -> memref<1x!tpu.dma_semaphore, #tpu.memory_space<semaphore_mem>>
    %dma_start3A_105 = tpu.memref_squeeze %dma_start3A_104 : memref<1x!tpu.dma_semaphore, #tpu.memory_space<semaphore_mem>> -> memref<!tpu.dma_semaphore, #tpu.memory_space<semaphore_mem>>
    %dma_start3A_106 = tpu.memref_slice %arg4[%add3A_97] : memref<28311552xf32, #tpu.memory_space<hbm>> -> memref<13824xf32, #tpu.memory_space<hbm>>
    %dma_start3A_107 = arith.constant 0 : i32
    %dma_start3A_108 = tpu.memref_slice %arg6[%dma_start3A_98, %dma_start3A_107] : memref<4x13824xf32, #tpu.memory_space<vmem>> -> memref<1x13824xf32, #tpu.memory_space<vmem>>
    %dma_start3A_109 = tpu.memref_squeeze %dma_start3A_108 : memref<1x13824xf32, #tpu.memory_space<vmem>> -> memref<13824xf32, #tpu.memory_space<vmem>>
    tpu.enqueue_dma source(%dma_start3A_109 : memref<13824xf32, #tpu.memory_space<vmem>>) target(%dma_start3A_106 : memref<13824xf32, #tpu.memory_space<hbm>>) target_semaphore(%dma_start3A_105 : memref<!tpu.dma_semaphore, #tpu.memory_space<semaphore_mem>>)
    %add3A_110 = arith.constant 1327104 : i32
    %add3A_111 = arith.addi %add3A_110, %mul3A_2 : i32
    %dma_start3A_112 = arith.constant 3 : i32
    %dma_start3A_113 = arith.constant 3 : i32
    %dma_start3A_114 = arith.constant 0 : i32
    %dma_start3A_115 = tpu.memref_slice %arg6[%dma_start3A_112, %dma_start3A_114] : memref<4x13824xf32, #tpu.memory_space<vmem>> -> memref<1x13824xf32, #tpu.memory_space<vmem>>
    %dma_start3A_116 = tpu.memref_squeeze %dma_start3A_115 : memref<1x13824xf32, #tpu.memory_space<vmem>> -> memref<13824xf32, #tpu.memory_space<vmem>>
    %dma_start3A_117 = tpu.memref_slice %arg2[%add3A_111] : memref<28311552xf32, #tpu.memory_space<hbm>> -> memref<13824xf32, #tpu.memory_space<hbm>>
    %dma_start3A_118 = tpu.memref_slice %arg7[%dma_start3A_113] : memref<4x!tpu.dma_semaphore, #tpu.memory_space<semaphore_mem>> -> memref<1x!tpu.dma_semaphore, #tpu.memory_space<semaphore_mem>>
    %dma_start3A_119 = tpu.memref_squeeze %dma_start3A_118 : memref<1x!tpu.dma_semaphore, #tpu.memory_space<semaphore_mem>> -> memref<!tpu.dma_semaphore, #tpu.memory_space<semaphore_mem>>
    %dma_start3A_120 = arith.constant 0 : i32
    %dma_start3A_121 = tpu.memref_slice %arg6[%dma_start3A_112, %dma_start3A_120] : memref<4x13824xf32, #tpu.memory_space<vmem>> -> memref<1x13824xf32, #tpu.memory_space<vmem>>
    %dma_start3A_122 = tpu.memref_squeeze %dma_start3A_121 : memref<1x13824xf32, #tpu.memory_space<vmem>> -> memref<13824xf32, #tpu.memory_space<vmem>>
    %dma_start3A_123 = tpu.memref_slice %arg2[%add3A_111] : memref<28311552xf32, #tpu.memory_space<hbm>> -> memref<13824xf32, #tpu.memory_space<hbm>>
    tpu.enqueue_dma source(%dma_start3A_123 : memref<13824xf32, #tpu.memory_space<hbm>>) target(%dma_start3A_122 : memref<13824xf32, #tpu.memory_space<vmem>>) target_semaphore(%dma_start3A_119 : memref<!tpu.dma_semaphore, #tpu.memory_space<semaphore_mem>>)
    %add3A_124 = arith.constant 884736 : i32
    %add3A_125 = arith.addi %add3A_124, %mul3A_2 : i32
    %dma_wait3A_126 = arith.constant 2 : i32
    %dma_wait3A_127 = arith.constant 2 : i32
    %dma_wait3A_128 = arith.constant 0 : i32
    %dma_wait3A_129 = tpu.memref_slice %arg6[%dma_wait3A_126, %dma_wait3A_128] : memref<4x13824xf32, #tpu.memory_space<vmem>> -> memref<1x13824xf32, #tpu.memory_space<vmem>>
    %dma_wait3A_130 = tpu.memref_squeeze %dma_wait3A_129 : memref<1x13824xf32, #tpu.memory_space<vmem>> -> memref<13824xf32, #tpu.memory_space<vmem>>
    %dma_wait3A_131 = tpu.memref_slice %arg2[%add3A_125] : memref<28311552xf32, #tpu.memory_space<hbm>> -> memref<13824xf32, #tpu.memory_space<hbm>>
    %dma_wait3A_132 = tpu.memref_slice %arg7[%dma_wait3A_127] : memref<4x!tpu.dma_semaphore, #tpu.memory_space<semaphore_mem>> -> memref<1x!tpu.dma_semaphore, #tpu.memory_space<semaphore_mem>>
    %dma_wait3A_133 = tpu.memref_squeeze %dma_wait3A_132 : memref<1x!tpu.dma_semaphore, #tpu.memory_space<semaphore_mem>> -> memref<!tpu.dma_semaphore, #tpu.memory_space<semaphore_mem>>
    %dma_wait3A_134 = arith.constant 0 : i32
    %dma_wait3A_135 = tpu.memref_slice %arg6[%dma_wait3A_126, %dma_wait3A_134] : memref<4x13824xf32, #tpu.memory_space<vmem>> -> memref<1x13824xf32, #tpu.memory_space<vmem>>
    %dma_wait3A_136 = tpu.memref_squeeze %dma_wait3A_135 : memref<1x13824xf32, #tpu.memory_space<vmem>> -> memref<13824xf32, #tpu.memory_space<vmem>>
    %dma_wait3A_137 = tpu.memref_slice %arg2[%add3A_125] : memref<28311552xf32, #tpu.memory_space<hbm>> -> memref<13824xf32, #tpu.memory_space<hbm>>
    tpu.wait_dma2 semaphore(%dma_wait3A_133 : memref<!tpu.dma_semaphore, #tpu.memory_space<semaphore_mem>>) src(%dma_wait3A_137 : memref<13824xf32, #tpu.memory_space<hbm>>) dst(%dma_wait3A_136 : memref<13824xf32, #tpu.memory_space<vmem>>)
    %scan3A_138 = arith.constant 0 : i32
    %scan3A_139 = arith.constant 0 : i32
    %scan3A_140 = arith.constant 864 : i32
    %scan3A_141 = arith.addi %scan3A_139, %scan3A_140 : i32
    %scan3A_142 = arith.constant 1 : i32
    scf.for %scan3A_502 = %scan3A_139 to %scan3A_141 step %scan3A_142  : i32 {
      %mul3A_503 = arith.constant 16 : i32
      %mul3A_504 = arith.muli %scan3A_502, %mul3A_503 : i32
      %get3A = arith.constant 2 : i32
      %get3A_505 = arith.index_cast %get3A : i32 to index
      %get3A_506 = arith.index_cast %mul3A_504 : i32 to index
      %get3A_507 = tpu.vector_load %arg6[%get3A_505, %get3A_506] {strides = array<i32>} : memref<4x13824xf32, #tpu.memory_space<vmem>>, vector<1x16xf32>,
      %get3A_508 = vector.shape_cast %get3A_507 : vector<1x16xf32> to vector<16xf32>
      %get3A_509 = arith.index_cast %mul3A_504 : i32 to index
      %get3A_510 = tpu.vector_load %arg5[%get3A_509] {strides = array<i32>} : memref<13824xf32, #tpu.memory_space<vmem>>, vector<16xf32>,
      %get3A_511 = vector.shape_cast %get3A_510 : vector<16xf32> to vector<16xf32>
      %add3A_512 = arith.addf %get3A_508, %get3A_511 : vector<16xf32>
      %swap3A = arith.constant 2 : i32
      %swap3A_513 = arith.index_cast %swap3A : i32 to index
      %swap3A_514 = arith.index_cast %mul3A_504 : i32 to index
      %swap3A_515 = tpu.vector_load %arg6[%swap3A_513, %swap3A_514] {strides = array<i32>} : memref<4x13824xf32, #tpu.memory_space<vmem>>, vector<1x16xf32>,
      %swap3A_516 = vector.shape_cast %swap3A_515 : vector<1x16xf32> to vector<16xf32>
      %swap3A_517 = vector.shape_cast %add3A_512 : vector<16xf32> to vector<1x16xf32>
      tpu.vector_store %arg6[%swap3A_513, %swap3A_514], %swap3A_517 {strides = array<i32>} : memref<4x13824xf32, #tpu.memory_space<vmem>>, vector<1x16xf32>,
    }
    %scan3A_143 = arith.constant 864 : i32
    %add3A_144 = arith.constant 884736 : i32
    %add3A_145 = arith.addi %add3A_144, %mul3A_2 : i32
    %dma_start3A_146 = arith.constant 2 : i32
    %dma_start3A_147 = arith.constant 2 : i32
    %dma_start3A_148 = arith.constant 0 : i32
    %dma_start3A_149 = tpu.memref_slice %arg6[%dma_start3A_146, %dma_start3A_148] : memref<4x13824xf32, #tpu.memory_space<vmem>> -> memref<1x13824xf32, #tpu.memory_space<vmem>>
    %dma_start3A_150 = tpu.memref_squeeze %dma_start3A_149 : memref<1x13824xf32, #tpu.memory_space<vmem>> -> memref<13824xf32, #tpu.memory_space<vmem>>
    %dma_start3A_151 = tpu.memref_slice %arg4[%add3A_145] : memref<28311552xf32, #tpu.memory_space<hbm>> -> memref<13824xf32, #tpu.memory_space<hbm>>
    %dma_start3A_152 = tpu.memref_slice %arg8[%dma_start3A_147] : memref<4x!tpu.dma_semaphore, #tpu.memory_space<semaphore_mem>> -> memref<1x!tpu.dma_semaphore, #tpu.memory_space<semaphore_mem>>
    %dma_start3A_153 = tpu.memref_squeeze %dma_start3A_152 : memref<1x!tpu.dma_semaphore, #tpu.memory_space<semaphore_mem>> -> memref<!tpu.dma_semaphore, #tpu.memory_space<semaphore_mem>>
    %dma_start3A_154 = tpu.memref_slice %arg4[%add3A_145] : memref<28311552xf32, #tpu.memory_space<hbm>> -> memref<13824xf32, #tpu.memory_space<hbm>>
    %dma_start3A_155 = arith.constant 0 : i32
    %dma_start3A_156 = tpu.memref_slice %arg6[%dma_start3A_146, %dma_start3A_155] : memref<4x13824xf32, #tpu.memory_space<vmem>> -> memref<1x13824xf32, #tpu.memory_space<vmem>>
    %dma_start3A_157 = tpu.memref_squeeze %dma_start3A_156 : memref<1x13824xf32, #tpu.memory_space<vmem>> -> memref<13824xf32, #tpu.memory_space<vmem>>
    tpu.enqueue_dma source(%dma_start3A_157 : memref<13824xf32, #tpu.memory_space<vmem>>) target(%dma_start3A_154 : memref<13824xf32, #tpu.memory_space<hbm>>) target_semaphore(%dma_start3A_153 : memref<!tpu.dma_semaphore, #tpu.memory_space<semaphore_mem>>)
    %add3A_158 = arith.constant 0 : i32
    %add3A_159 = arith.addi %add3A_158, %mul3A_2 : i32
    %dma_wait3A_160 = arith.constant 0 : i32
    %dma_wait3A_161 = arith.constant 0 : i32
    %dma_wait3A_162 = arith.constant 0 : i32
    %dma_wait3A_163 = tpu.memref_slice %arg6[%dma_wait3A_160, %dma_wait3A_162] : memref<4x13824xf32, #tpu.memory_space<vmem>> -> memref<1x13824xf32, #tpu.memory_space<vmem>>
    %dma_wait3A_164 = tpu.memref_squeeze %dma_wait3A_163 : memref<1x13824xf32, #tpu.memory_space<vmem>> -> memref<13824xf32, #tpu.memory_space<vmem>>
    %dma_wait3A_165 = tpu.memref_slice %arg4[%add3A_159] : memref<28311552xf32, #tpu.memory_space<hbm>> -> memref<13824xf32, #tpu.memory_space<hbm>>
    %dma_wait3A_166 = tpu.memref_slice %arg8[%dma_wait3A_161] : memref<4x!tpu.dma_semaphore, #tpu.memory_space<semaphore_mem>> -> memref<1x!tpu.dma_semaphore, #tpu.memory_space<semaphore_mem>>
    %dma_wait3A_167 = tpu.memref_squeeze %dma_wait3A_166 : memref<1x!tpu.dma_semaphore, #tpu.memory_space<semaphore_mem>> -> memref<!tpu.dma_semaphore, #tpu.memory_space<semaphore_mem>>
    %dma_wait3A_168 = tpu.memref_slice %arg4[%add3A_159] : memref<28311552xf32, #tpu.memory_space<hbm>> -> memref<13824xf32, #tpu.memory_space<hbm>>
    %dma_wait3A_169 = arith.constant 0 : i32
    %dma_wait3A_170 = tpu.memref_slice %arg6[%dma_wait3A_160, %dma_wait3A_169] : memref<4x13824xf32, #tpu.memory_space<vmem>> -> memref<1x13824xf32, #tpu.memory_space<vmem>>
    %dma_wait3A_171 = tpu.memref_squeeze %dma_wait3A_170 : memref<1x13824xf32, #tpu.memory_space<vmem>> -> memref<13824xf32, #tpu.memory_space<vmem>>
    tpu.wait_dma2 semaphore(%dma_wait3A_167 : memref<!tpu.dma_semaphore, #tpu.memory_space<semaphore_mem>>) src(%dma_wait3A_171 : memref<13824xf32, #tpu.memory_space<vmem>>) dst(%dma_wait3A_168 : memref<13824xf32, #tpu.memory_space<hbm>>)
    %add3A_172 = arith.constant 1769472 : i32
    %add3A_173 = arith.addi %add3A_172, %mul3A_2 : i32
    %dma_start3A_174 = arith.constant 0 : i32
    %dma_start3A_175 = arith.constant 0 : i32
    %dma_start3A_176 = arith.constant 0 : i32
    %dma_start3A_177 = tpu.memref_slice %arg6[%dma_start3A_174, %dma_start3A_176] : memref<4x13824xf32, #tpu.memory_space<vmem>> -> memref<1x13824xf32, #tpu.memory_space<vmem>>
    %dma_start3A_178 = tpu.memref_squeeze %dma_start3A_177 : memref<1x13824xf32, #tpu.memory_space<vmem>> -> memref<13824xf32, #tpu.memory_space<vmem>>
    %dma_start3A_179 = tpu.memref_slice %arg2[%add3A_173] : memref<28311552xf32, #tpu.memory_space<hbm>> -> memref<13824xf32, #tpu.memory_space<hbm>>
    %dma_start3A_180 = tpu.memref_slice %arg7[%dma_start3A_175] : memref<4x!tpu.dma_semaphore, #tpu.memory_space<semaphore_mem>> -> memref<1x!tpu.dma_semaphore, #tpu.memory_space<semaphore_mem>>
    %dma_start3A_181 = tpu.memref_squeeze %dma_start3A_180 : memref<1x!tpu.dma_semaphore, #tpu.memory_space<semaphore_mem>> -> memref<!tpu.dma_semaphore, #tpu.memory_space<semaphore_mem>>
    %dma_start3A_182 = arith.constant 0 : i32
    %dma_start3A_183 = tpu.memref_slice %arg6[%dma_start3A_174, %dma_start3A_182] : memref<4x13824xf32, #tpu.memory_space<vmem>> -> memref<1x13824xf32, #tpu.memory_space<vmem>>
    %dma_start3A_184 = tpu.memref_squeeze %dma_start3A_183 : memref<1x13824xf32, #tpu.memory_space<vmem>> -> memref<13824xf32, #tpu.memory_space<vmem>>
    %dma_start3A_185 = tpu.memref_slice %arg2[%add3A_173] : memref<28311552xf32, #tpu.memory_space<hbm>> -> memref<13824xf32, #tpu.memory_space<hbm>>
    tpu.enqueue_dma source(%dma_start3A_185 : memref<13824xf32, #tpu.memory_space<hbm>>) target(%dma_start3A_184 : memref<13824xf32, #tpu.memory_space<vmem>>) target_semaphore(%dma_start3A_181 : memref<!tpu.dma_semaphore, #tpu.memory_space<semaphore_mem>>)
    %add3A_186 = arith.constant 1327104 : i32
    %add3A_187 = arith.addi %add3A_186, %mul3A_2 : i32
    %dma_wait3A_188 = arith.constant 3 : i32
    %dma_wait3A_189 = arith.constant 3 : i32
    %dma_wait3A_190 = arith.constant 0 : i32
    %dma_wait3A_191 = tpu.memref_slice %arg6[%dma_wait3A_188, %dma_wait3A_190] : memref<4x13824xf32, #tpu.memory_space<vmem>> -> memref<1x13824xf32, #tpu.memory_space<vmem>>
    %dma_wait3A_192 = tpu.memref_squeeze %dma_wait3A_191 : memref<1x13824xf32, #tpu.memory_space<vmem>> -> memref<13824xf32, #tpu.memory_space<vmem>>
    %dma_wait3A_193 = tpu.memref_slice %arg2[%add3A_187] : memref<28311552xf32, #tpu.memory_space<hbm>> -> memref<13824xf32, #tpu.memory_space<hbm>>
    %dma_wait3A_194 = tpu.memref_slice %arg7[%dma_wait3A_189] : memref<4x!tpu.dma_semaphore, #tpu.memory_space<semaphore_mem>> -> memref<1x!tpu.dma_semaphore, #tpu.memory_space<semaphore_mem>>
    %dma_wait3A_195 = tpu.memref_squeeze %dma_wait3A_194 : memref<1x!tpu.dma_semaphore, #tpu.memory_space<semaphore_mem>> -> memref<!tpu.dma_semaphore, #tpu.memory_space<semaphore_mem>>
    %dma_wait3A_196 = arith.constant 0 : i32
    %dma_wait3A_197 = tpu.memref_slice %arg6[%dma_wait3A_188, %dma_wait3A_196] : memref<4x13824xf32, #tpu.memory_space<vmem>> -> memref<1x13824xf32, #tpu.memory_space<vmem>>
    %dma_wait3A_198 = tpu.memref_squeeze %dma_wait3A_197 : memref<1x13824xf32, #tpu.memory_space<vmem>> -> memref<13824xf32, #tpu.memory_space<vmem>>
    %dma_wait3A_199 = tpu.memref_slice %arg2[%add3A_187] : memref<28311552xf32, #tpu.memory_space<hbm>> -> memref<13824xf32, #tpu.memory_space<hbm>>
    tpu.wait_dma2 semaphore(%dma_wait3A_195 : memref<!tpu.dma_semaphore, #tpu.memory_space<semaphore_mem>>) src(%dma_wait3A_199 : memref<13824xf32, #tpu.memory_space<hbm>>) dst(%dma_wait3A_198 : memref<13824xf32, #tpu.memory_space<vmem>>)
    %scan3A_200 = arith.constant 0 : i32
    %scan3A_201 = arith.constant 0 : i32
    %scan3A_202 = arith.constant 864 : i32
    %scan3A_203 = arith.addi %scan3A_201, %scan3A_202 : i32
    %scan3A_204 = arith.constant 1 : i32
    scf.for %scan3A_502 = %scan3A_201 to %scan3A_203 step %scan3A_204  : i32 {
      %mul3A_503 = arith.constant 16 : i32
      %mul3A_504 = arith.muli %scan3A_502, %mul3A_503 : i32
      %get3A = arith.constant 3 : i32
      %get3A_505 = arith.index_cast %get3A : i32 to index
      %get3A_506 = arith.index_cast %mul3A_504 : i32 to index
      %get3A_507 = tpu.vector_load %arg6[%get3A_505, %get3A_506] {strides = array<i32>} : memref<4x13824xf32, #tpu.memory_space<vmem>>, vector<1x16xf32>,
      %get3A_508 = vector.shape_cast %get3A_507 : vector<1x16xf32> to vector<16xf32>
      %get3A_509 = arith.index_cast %mul3A_504 : i32 to index
      %get3A_510 = tpu.vector_load %arg5[%get3A_509] {strides = array<i32>} : memref<13824xf32, #tpu.memory_space<vmem>>, vector<16xf32>,
      %get3A_511 = vector.shape_cast %get3A_510 : vector<16xf32> to vector<16xf32>
      %add3A_512 = arith.addf %get3A_508, %get3A_511 : vector<16xf32>
      %swap3A = arith.constant 3 : i32
      %swap3A_513 = arith.index_cast %swap3A : i32 to index
      %swap3A_514 = arith.index_cast %mul3A_504 : i32 to index
      %swap3A_515 = tpu.vector_load %arg6[%swap3A_513, %swap3A_514] {strides = array<i32>} : memref<4x13824xf32, #tpu.memory_space<vmem>>, vector<1x16xf32>,
      %swap3A_516 = vector.shape_cast %swap3A_515 : vector<1x16xf32> to vector<16xf32>
      %swap3A_517 = vector.shape_cast %add3A_512 : vector<16xf32> to vector<1x16xf32>
      tpu.vector_store %arg6[%swap3A_513, %swap3A_514], %swap3A_517 {strides = array<i32>} : memref<4x13824xf32, #tpu.memory_space<vmem>>, vector<1x16xf32>,
    }
    %scan3A_205 = arith.constant 864 : i32
    %add3A_206 = arith.constant 1327104 : i32
    %add3A_207 = arith.addi %add3A_206, %mul3A_2 : i32
    %dma_start3A_208 = arith.constant 3 : i32
    %dma_start3A_209 = arith.constant 3 : i32
    %dma_start3A_210 = arith.constant 0 : i32
    %dma_start3A_211 = tpu.memref_slice %arg6[%dma_start3A_208, %dma_start3A_210] : memref<4x13824xf32, #tpu.memory_space<vmem>> -> memref<1x13824xf32, #tpu.memory_space<vmem>>
    %dma_start3A_212 = tpu.memref_squeeze %dma_start3A_211 : memref<1x13824xf32, #tpu.memory_space<vmem>> -> memref<13824xf32, #tpu.memory_space<vmem>>
    %dma_start3A_213 = tpu.memref_slice %arg4[%add3A_207] : memref<28311552xf32, #tpu.memory_space<hbm>> -> memref<13824xf32, #tpu.memory_space<hbm>>
    %dma_start3A_214 = tpu.memref_slice %arg8[%dma_start3A_209] : memref<4x!tpu.dma_semaphore, #tpu.memory_space<semaphore_mem>> -> memref<1x!tpu.dma_semaphore, #tpu.memory_space<semaphore_mem>>
    %dma_start3A_215 = tpu.memref_squeeze %dma_start3A_214 : memref<1x!tpu.dma_semaphore, #tpu.memory_space<semaphore_mem>> -> memref<!tpu.dma_semaphore, #tpu.memory_space<semaphore_mem>>
    %dma_start3A_216 = tpu.memref_slice %arg4[%add3A_207] : memref<28311552xf32, #tpu.memory_space<hbm>> -> memref<13824xf32, #tpu.memory_space<hbm>>
    %dma_start3A_217 = arith.constant 0 : i32
    %dma_start3A_218 = tpu.memref_slice %arg6[%dma_start3A_208, %dma_start3A_217] : memref<4x13824xf32, #tpu.memory_space<vmem>> -> memref<1x13824xf32, #tpu.memory_space<vmem>>
    %dma_start3A_219 = tpu.memref_squeeze %dma_start3A_218 : memref<1x13824xf32, #tpu.memory_space<vmem>> -> memref<13824xf32, #tpu.memory_space<vmem>>
    tpu.enqueue_dma source(%dma_start3A_219 : memref<13824xf32, #tpu.memory_space<vmem>>) target(%dma_start3A_216 : memref<13824xf32, #tpu.memory_space<hbm>>) target_semaphore(%dma_start3A_215 : memref<!tpu.dma_semaphore, #tpu.memory_space<semaphore_mem>>)
    %add3A_220 = arith.constant 442368 : i32
    %add3A_221 = arith.addi %add3A_220, %mul3A_2 : i32
    %dma_wait3A_222 = arith.constant 1 : i32
    %dma_wait3A_223 = arith.constant 1 : i32
    %dma_wait3A_224 = arith.constant 0 : i32
    %dma_wait3A_225 = tpu.memref_slice %arg6[%dma_wait3A_222, %dma_wait3A_224] : memref<4x13824xf32, #tpu.memory_space<vmem>> -> memref<1x13824xf32, #tpu.memory_space<vmem>>
    %dma_wait3A_226 = tpu.memref_squeeze %dma_wait3A_225 : memref<1x13824xf32, #tpu.memory_space<vmem>> -> memref<13824xf32, #tpu.memory_space<vmem>>
    %dma_wait3A_227 = tpu.memref_slice %arg4[%add3A_221] : memref<28311552xf32, #tpu.memory_space<hbm>> -> memref<13824xf32, #tpu.memory_space<hbm>>
    %dma_wait3A_228 = tpu.memref_slice %arg8[%dma_wait3A_223] : memref<4x!tpu.dma_semaphore, #tpu.memory_space<semaphore_mem>> -> memref<1x!tpu.dma_semaphore, #tpu.memory_space<semaphore_mem>>
    %dma_wait3A_229 = tpu.memref_squeeze %dma_wait3A_228 : memref<1x!tpu.dma_semaphore, #tpu.memory_space<semaphore_mem>> -> memref<!tpu.dma_semaphore, #tpu.memory_space<semaphore_mem>>
    %dma_wait3A_230 = tpu.memref_slice %arg4[%add3A_221] : memref<28311552xf32, #tpu.memory_space<hbm>> -> memref<13824xf32, #tpu.memory_space<hbm>>
    %dma_wait3A_231 = arith.constant 0 : i32
    %dma_wait3A_232 = tpu.memref_slice %arg6[%dma_wait3A_222, %dma_wait3A_231] : memref<4x13824xf32, #tpu.memory_space<vmem>> -> memref<1x13824xf32, #tpu.memory_space<vmem>>
    %dma_wait3A_233 = tpu.memref_squeeze %dma_wait3A_232 : memref<1x13824xf32, #tpu.memory_space<vmem>> -> memref<13824xf32, #tpu.memory_space<vmem>>
    tpu.wait_dma2 semaphore(%dma_wait3A_229 : memref<!tpu.dma_semaphore, #tpu.memory_space<semaphore_mem>>) src(%dma_wait3A_233 : memref<13824xf32, #tpu.memory_space<vmem>>) dst(%dma_wait3A_230 : memref<13824xf32, #tpu.memory_space<hbm>>)
    %add3A_234 = arith.constant 2211840 : i32
    %add3A_235 = arith.addi %add3A_234, %mul3A_2 : i32
    %dma_start3A_236 = arith.constant 1 : i32
    %dma_start3A_237 = arith.constant 1 : i32
    %dma_start3A_238 = arith.constant 0 : i32
    %dma_start3A_239 = tpu.memref_slice %arg6[%dma_start3A_236, %dma_start3A_238] : memref<4x13824xf32, #tpu.memory_space<vmem>> -> memref<1x13824xf32, #tpu.memory_space<vmem>>
    %dma_start3A_240 = tpu.memref_squeeze %dma_start3A_239 : memref<1x13824xf32, #tpu.memory_space<vmem>> -> memref<13824xf32, #tpu.memory_space<vmem>>
    %dma_start3A_241 = tpu.memref_slice %arg2[%add3A_235] : memref<28311552xf32, #tpu.memory_space<hbm>> -> memref<13824xf32, #tpu.memory_space<hbm>>
    %dma_start3A_242 = tpu.memref_slice %arg7[%dma_start3A_237] : memref<4x!tpu.dma_semaphore, #tpu.memory_space<semaphore_mem>> -> memref<1x!tpu.dma_semaphore, #tpu.memory_space<semaphore_mem>>
    %dma_start3A_243 = tpu.memref_squeeze %dma_start3A_242 : memref<1x!tpu.dma_semaphore, #tpu.memory_space<semaphore_mem>> -> memref<!tpu.dma_semaphore, #tpu.memory_space<semaphore_mem>>
    %dma_start3A_244 = arith.constant 0 : i32
    %dma_start3A_245 = tpu.memref_slice %arg6[%dma_start3A_236, %dma_start3A_244] : memref<4x13824xf32, #tpu.memory_space<vmem>> -> memref<1x13824xf32, #tpu.memory_space<vmem>>
    %dma_start3A_246 = tpu.memref_squeeze %dma_start3A_245 : memref<1x13824xf32, #tpu.memory_space<vmem>> -> memref<13824xf32, #tpu.memory_space<vmem>>
    %dma_start3A_247 = tpu.memref_slice %arg2[%add3A_235] : memref<28311552xf32, #tpu.memory_space<hbm>> -> memref<13824xf32, #tpu.memory_space<hbm>>
    tpu.enqueue_dma source(%dma_start3A_247 : memref<13824xf32, #tpu.memory_space<hbm>>) target(%dma_start3A_246 : memref<13824xf32, #tpu.memory_space<vmem>>) target_semaphore(%dma_start3A_243 : memref<!tpu.dma_semaphore, #tpu.memory_space<semaphore_mem>>)
    %scan3A_248 = arith.constant 0 : i32
    %scan3A_249 = arith.constant 1 : i32
    %scan3A_250 = arith.constant 14 : i32
    %scan3A_251 = arith.addi %scan3A_249, %scan3A_250 : i32
    %scan3A_252 = arith.constant 1 : i32
    scf.for %scan3A_502 = %scan3A_249 to %scan3A_251 step %scan3A_252  : i32 {
      %mul3A_503 = arith.constant 4 : i32
      %mul3A_504 = arith.muli %scan3A_502, %mul3A_503 : i32
      %add3A_505 = arith.constant 0 : i32
      %add3A_506 = arith.addi %mul3A_504, %add3A_505 : i32
      %mul3A_507 = arith.constant 442368 : i32
      %mul3A_508 = arith.muli %add3A_506, %mul3A_507 : i32
      %add3A_509 = arith.addi %mul3A_508, %mul3A_2 : i32
      %dma_wait3A_510 = arith.constant 0 : i32
      %dma_wait3A_511 = arith.constant 0 : i32
      %dma_wait3A_512 = arith.constant 0 : i32
      %dma_wait3A_513 = tpu.memref_slice %arg6[%dma_wait3A_510, %dma_wait3A_512] : memref<4x13824xf32, #tpu.memory_space<vmem>> -> memref<1x13824xf32, #tpu.memory_space<vmem>>
      %dma_wait3A_514 = tpu.memref_squeeze %dma_wait3A_513 : memref<1x13824xf32, #tpu.memory_space<vmem>> -> memref<13824xf32, #tpu.memory_space<vmem>>
      %dma_wait3A_515 = tpu.memref_slice %arg2[%add3A_509] : memref<28311552xf32, #tpu.memory_space<hbm>> -> memref<13824xf32, #tpu.memory_space<hbm>>
      %dma_wait3A_516 = tpu.memref_slice %arg7[%dma_wait3A_511] : memref<4x!tpu.dma_semaphore, #tpu.memory_space<semaphore_mem>> -> memref<1x!tpu.dma_semaphore, #tpu.memory_space<semaphore_mem>>
      %dma_wait3A_517 = tpu.memref_squeeze %dma_wait3A_516 : memref<1x!tpu.dma_semaphore, #tpu.memory_space<semaphore_mem>> -> memref<!tpu.dma_semaphore, #tpu.memory_space<semaphore_mem>>
      %dma_wait3A_518 = arith.constant 0 : i32
      %dma_wait3A_519 = tpu.memref_slice %arg6[%dma_wait3A_510, %dma_wait3A_518] : memref<4x13824xf32, #tpu.memory_space<vmem>> -> memref<1x13824xf32, #tpu.memory_space<vmem>>
      %dma_wait3A_520 = tpu.memref_squeeze %dma_wait3A_519 : memref<1x13824xf32, #tpu.memory_space<vmem>> -> memref<13824xf32, #tpu.memory_space<vmem>>
      %dma_wait3A_521 = tpu.memref_slice %arg2[%add3A_509] : memref<28311552xf32, #tpu.memory_space<hbm>> -> memref<13824xf32, #tpu.memory_space<hbm>>
      tpu.wait_dma2 semaphore(%dma_wait3A_517 : memref<!tpu.dma_semaphore, #tpu.memory_space<semaphore_mem>>) src(%dma_wait3A_521 : memref<13824xf32, #tpu.memory_space<hbm>>) dst(%dma_wait3A_520 : memref<13824xf32, #tpu.memory_space<vmem>>)
      %scan3A_522 = arith.constant 0 : i32
      %scan3A_523 = arith.constant 0 : i32
      %scan3A_524 = arith.constant 864 : i32
      %scan3A_525 = arith.addi %scan3A_523, %scan3A_524 : i32
      %scan3A_526 = arith.constant 1 : i32
      scf.for %scan3A_792 = %scan3A_523 to %scan3A_525 step %scan3A_526  : i32 {
        %mul3A_793 = arith.constant 16 : i32
        %mul3A_794 = arith.muli %scan3A_792, %mul3A_793 : i32
        %get3A = arith.constant 0 : i32
        %get3A_795 = arith.index_cast %get3A : i32 to index
        %get3A_796 = arith.index_cast %mul3A_794 : i32 to index
        %get3A_797 = tpu.vector_load %arg6[%get3A_795, %get3A_796] {strides = array<i32>} : memref<4x13824xf32, #tpu.memory_space<vmem>>, vector<1x16xf32>,
        %get3A_798 = vector.shape_cast %get3A_797 : vector<1x16xf32> to vector<16xf32>
        %get3A_799 = arith.index_cast %mul3A_794 : i32 to index
        %get3A_800 = tpu.vector_load %arg5[%get3A_799] {strides = array<i32>} : memref<13824xf32, #tpu.memory_space<vmem>>, vector<16xf32>,
        %get3A_801 = vector.shape_cast %get3A_800 : vector<16xf32> to vector<16xf32>
        %add3A_802 = arith.addf %get3A_798, %get3A_801 : vector<16xf32>
        %swap3A = arith.constant 0 : i32
        %swap3A_803 = arith.index_cast %swap3A : i32 to index
        %swap3A_804 = arith.index_cast %mul3A_794 : i32 to index
        %swap3A_805 = tpu.vector_load %arg6[%swap3A_803, %swap3A_804] {strides = array<i32>} : memref<4x13824xf32, #tpu.memory_space<vmem>>, vector<1x16xf32>,
        %swap3A_806 = vector.shape_cast %swap3A_805 : vector<1x16xf32> to vector<16xf32>
        %swap3A_807 = vector.shape_cast %add3A_802 : vector<16xf32> to vector<1x16xf32>
        tpu.vector_store %arg6[%swap3A_803, %swap3A_804], %swap3A_807 {strides = array<i32>} : memref<4x13824xf32, #tpu.memory_space<vmem>>, vector<1x16xf32>,
      }
      %scan3A_527 = arith.constant 864 : i32
      %mul3A_528 = arith.constant 442368 : i32
      %mul3A_529 = arith.muli %add3A_506, %mul3A_528 : i32
      %add3A_530 = arith.addi %mul3A_529, %mul3A_2 : i32
      %dma_start3A_531 = arith.constant 0 : i32
      %dma_start3A_532 = arith.constant 0 : i32
      %dma_start3A_533 = arith.constant 0 : i32
      %dma_start3A_534 = tpu.memref_slice %arg6[%dma_start3A_531, %dma_start3A_533] : memref<4x13824xf32, #tpu.memory_space<vmem>> -> memref<1x13824xf32, #tpu.memory_space<vmem>>
      %dma_start3A_535 = tpu.memref_squeeze %dma_start3A_534 : memref<1x13824xf32, #tpu.memory_space<vmem>> -> memref<13824xf32, #tpu.memory_space<vmem>>
      %dma_start3A_536 = tpu.memref_slice %arg4[%add3A_530] : memref<28311552xf32, #tpu.memory_space<hbm>> -> memref<13824xf32, #tpu.memory_space<hbm>>
      %dma_start3A_537 = tpu.memref_slice %arg8[%dma_start3A_532] : memref<4x!tpu.dma_semaphore, #tpu.memory_space<semaphore_mem>> -> memref<1x!tpu.dma_semaphore, #tpu.memory_space<semaphore_mem>>
      %dma_start3A_538 = tpu.memref_squeeze %dma_start3A_537 : memref<1x!tpu.dma_semaphore, #tpu.memory_space<semaphore_mem>> -> memref<!tpu.dma_semaphore, #tpu.memory_space<semaphore_mem>>
      %dma_start3A_539 = tpu.memref_slice %arg4[%add3A_530] : memref<28311552xf32, #tpu.memory_space<hbm>> -> memref<13824xf32, #tpu.memory_space<hbm>>
      %dma_start3A_540 = arith.constant 0 : i32
      %dma_start3A_541 = tpu.memref_slice %arg6[%dma_start3A_531, %dma_start3A_540] : memref<4x13824xf32, #tpu.memory_space<vmem>> -> memref<1x13824xf32, #tpu.memory_space<vmem>>
      %dma_start3A_542 = tpu.memref_squeeze %dma_start3A_541 : memref<1x13824xf32, #tpu.memory_space<vmem>> -> memref<13824xf32, #tpu.memory_space<vmem>>
      tpu.enqueue_dma source(%dma_start3A_542 : memref<13824xf32, #tpu.memory_space<vmem>>) target(%dma_start3A_539 : memref<13824xf32, #tpu.memory_space<hbm>>) target_semaphore(%dma_start3A_538 : memref<!tpu.dma_semaphore, #tpu.memory_space<semaphore_mem>>)
      %add3A_543 = arith.constant 2 : i32
      %add3A_544 = arith.addi %add3A_506, %add3A_543 : i32
      %sub3A = arith.constant 4 : i32
      %sub3A_545 = arith.subi %add3A_544, %sub3A : i32
      %mul3A_546 = arith.constant 442368 : i32
      %mul3A_547 = arith.muli %sub3A_545, %mul3A_546 : i32
      %add3A_548 = arith.addi %mul3A_547, %mul3A_2 : i32
      %dma_wait3A_549 = arith.constant 2 : i32
      %dma_wait3A_550 = arith.constant 2 : i32
      %dma_wait3A_551 = arith.constant 0 : i32
      %dma_wait3A_552 = tpu.memref_slice %arg6[%dma_wait3A_549, %dma_wait3A_551] : memref<4x13824xf32, #tpu.memory_space<vmem>> -> memref<1x13824xf32, #tpu.memory_space<vmem>>
      %dma_wait3A_553 = tpu.memref_squeeze %dma_wait3A_552 : memref<1x13824xf32, #tpu.memory_space<vmem>> -> memref<13824xf32, #tpu.memory_space<vmem>>
      %dma_wait3A_554 = tpu.memref_slice %arg4[%add3A_548] : memref<28311552xf32, #tpu.memory_space<hbm>> -> memref<13824xf32, #tpu.memory_space<hbm>>
      %dma_wait3A_555 = tpu.memref_slice %arg8[%dma_wait3A_550] : memref<4x!tpu.dma_semaphore, #tpu.memory_space<semaphore_mem>> -> memref<1x!tpu.dma_semaphore, #tpu.memory_space<semaphore_mem>>
      %dma_wait3A_556 = tpu.memref_squeeze %dma_wait3A_555 : memref<1x!tpu.dma_semaphore, #tpu.memory_space<semaphore_mem>> -> memref<!tpu.dma_semaphore, #tpu.memory_space<semaphore_mem>>
      %dma_wait3A_557 = tpu.memref_slice %arg4[%add3A_548] : memref<28311552xf32, #tpu.memory_space<hbm>> -> memref<13824xf32, #tpu.memory_space<hbm>>
      %dma_wait3A_558 = arith.constant 0 : i32
      %dma_wait3A_559 = tpu.memref_slice %arg6[%dma_wait3A_549, %dma_wait3A_558] : memref<4x13824xf32, #tpu.memory_space<vmem>> -> memref<1x13824xf32, #tpu.memory_space<vmem>>
      %dma_wait3A_560 = tpu.memref_squeeze %dma_wait3A_559 : memref<1x13824xf32, #tpu.memory_space<vmem>> -> memref<13824xf32, #tpu.memory_space<vmem>>
      tpu.wait_dma2 semaphore(%dma_wait3A_556 : memref<!tpu.dma_semaphore, #tpu.memory_space<semaphore_mem>>) src(%dma_wait3A_560 : memref<13824xf32, #tpu.memory_space<vmem>>) dst(%dma_wait3A_557 : memref<13824xf32, #tpu.memory_space<hbm>>)
      %mul3A_561 = arith.constant 442368 : i32
      %mul3A_562 = arith.muli %add3A_544, %mul3A_561 : i32
      %add3A_563 = arith.addi %mul3A_562, %mul3A_2 : i32
      %dma_start3A_564 = arith.constant 2 : i32
      %dma_start3A_565 = arith.constant 2 : i32
      %dma_start3A_566 = arith.constant 0 : i32
      %dma_start3A_567 = tpu.memref_slice %arg6[%dma_start3A_564, %dma_start3A_566] : memref<4x13824xf32, #tpu.memory_space<vmem>> -> memref<1x13824xf32, #tpu.memory_space<vmem>>
      %dma_start3A_568 = tpu.memref_squeeze %dma_start3A_567 : memref<1x13824xf32, #tpu.memory_space<vmem>> -> memref<13824xf32, #tpu.memory_space<vmem>>
      %dma_start3A_569 = tpu.memref_slice %arg2[%add3A_563] : memref<28311552xf32, #tpu.memory_space<hbm>> -> memref<13824xf32, #tpu.memory_space<hbm>>
      %dma_start3A_570 = tpu.memref_slice %arg7[%dma_start3A_565] : memref<4x!tpu.dma_semaphore, #tpu.memory_space<semaphore_mem>> -> memref<1x!tpu.dma_semaphore, #tpu.memory_space<semaphore_mem>>
      %dma_start3A_571 = tpu.memref_squeeze %dma_start3A_570 : memref<1x!tpu.dma_semaphore, #tpu.memory_space<semaphore_mem>> -> memref<!tpu.dma_semaphore, #tpu.memory_space<semaphore_mem>>
      %dma_start3A_572 = arith.constant 0 : i32
      %dma_start3A_573 = tpu.memref_slice %arg6[%dma_start3A_564, %dma_start3A_572] : memref<4x13824xf32, #tpu.memory_space<vmem>> -> memref<1x13824xf32, #tpu.memory_space<vmem>>
      %dma_start3A_574 = tpu.memref_squeeze %dma_start3A_573 : memref<1x13824xf32, #tpu.memory_space<vmem>> -> memref<13824xf32, #tpu.memory_space<vmem>>
      %dma_start3A_575 = tpu.memref_slice %arg2[%add3A_563] : memref<28311552xf32, #tpu.memory_space<hbm>> -> memref<13824xf32, #tpu.memory_space<hbm>>
      tpu.enqueue_dma source(%dma_start3A_575 : memref<13824xf32, #tpu.memory_space<hbm>>) target(%dma_start3A_574 : memref<13824xf32, #tpu.memory_space<vmem>>) target_semaphore(%dma_start3A_571 : memref<!tpu.dma_semaphore, #tpu.memory_space<semaphore_mem>>)
      %add3A_576 = arith.constant 1 : i32
      %add3A_577 = arith.addi %mul3A_504, %add3A_576 : i32
      %mul3A_578 = arith.constant 442368 : i32
      %mul3A_579 = arith.muli %add3A_577, %mul3A_578 : i32
      %add3A_580 = arith.addi %mul3A_579, %mul3A_2 : i32
      %dma_wait3A_581 = arith.constant 1 : i32
      %dma_wait3A_582 = arith.constant 1 : i32
      %dma_wait3A_583 = arith.constant 0 : i32
      %dma_wait3A_584 = tpu.memref_slice %arg6[%dma_wait3A_581, %dma_wait3A_583] : memref<4x13824xf32, #tpu.memory_space<vmem>> -> memref<1x13824xf32, #tpu.memory_space<vmem>>
      %dma_wait3A_585 = tpu.memref_squeeze %dma_wait3A_584 : memref<1x13824xf32, #tpu.memory_space<vmem>> -> memref<13824xf32, #tpu.memory_space<vmem>>
      %dma_wait3A_586 = tpu.memref_slice %arg2[%add3A_580] : memref<28311552xf32, #tpu.memory_space<hbm>> -> memref<13824xf32, #tpu.memory_space<hbm>>
      %dma_wait3A_587 = tpu.memref_slice %arg7[%dma_wait3A_582] : memref<4x!tpu.dma_semaphore, #tpu.memory_space<semaphore_mem>> -> memref<1x!tpu.dma_semaphore, #tpu.memory_space<semaphore_mem>>
      %dma_wait3A_588 = tpu.memref_squeeze %dma_wait3A_587 : memref<1x!tpu.dma_semaphore, #tpu.memory_space<semaphore_mem>> -> memref<!tpu.dma_semaphore, #tpu.memory_space<semaphore_mem>>
      %dma_wait3A_589 = arith.constant 0 : i32
      %dma_wait3A_590 = tpu.memref_slice %arg6[%dma_wait3A_581, %dma_wait3A_589] : memref<4x13824xf32, #tpu.memory_space<vmem>> -> memref<1x13824xf32, #tpu.memory_space<vmem>>
      %dma_wait3A_591 = tpu.memref_squeeze %dma_wait3A_590 : memref<1x13824xf32, #tpu.memory_space<vmem>> -> memref<13824xf32, #tpu.memory_space<vmem>>
      %dma_wait3A_592 = tpu.memref_slice %arg2[%add3A_580] : memref<28311552xf32, #tpu.memory_space<hbm>> -> memref<13824xf32, #tpu.memory_space<hbm>>
      tpu.wait_dma2 semaphore(%dma_wait3A_588 : memref<!tpu.dma_semaphore, #tpu.memory_space<semaphore_mem>>) src(%dma_wait3A_592 : memref<13824xf32, #tpu.memory_space<hbm>>) dst(%dma_wait3A_591 : memref<13824xf32, #tpu.memory_space<vmem>>)
      %scan3A_593 = arith.constant 0 : i32
      %scan3A_594 = arith.constant 0 : i32
      %scan3A_595 = arith.constant 864 : i32
      %scan3A_596 = arith.addi %scan3A_594, %scan3A_595 : i32
      %scan3A_597 = arith.constant 1 : i32
      scf.for %scan3A_792 = %scan3A_594 to %scan3A_596 step %scan3A_597  : i32 {
        %mul3A_793 = arith.constant 16 : i32
        %mul3A_794 = arith.muli %scan3A_792, %mul3A_793 : i32
        %get3A = arith.constant 1 : i32
        %get3A_795 = arith.index_cast %get3A : i32 to index
        %get3A_796 = arith.index_cast %mul3A_794 : i32 to index
        %get3A_797 = tpu.vector_load %arg6[%get3A_795, %get3A_796] {strides = array<i32>} : memref<4x13824xf32, #tpu.memory_space<vmem>>, vector<1x16xf32>,
        %get3A_798 = vector.shape_cast %get3A_797 : vector<1x16xf32> to vector<16xf32>
        %get3A_799 = arith.index_cast %mul3A_794 : i32 to index
        %get3A_800 = tpu.vector_load %arg5[%get3A_799] {strides = array<i32>} : memref<13824xf32, #tpu.memory_space<vmem>>, vector<16xf32>,
        %get3A_801 = vector.shape_cast %get3A_800 : vector<16xf32> to vector<16xf32>
        %add3A_802 = arith.addf %get3A_798, %get3A_801 : vector<16xf32>
        %swap3A = arith.constant 1 : i32
        %swap3A_803 = arith.index_cast %swap3A : i32 to index
        %swap3A_804 = arith.index_cast %mul3A_794 : i32 to index
        %swap3A_805 = tpu.vector_load %arg6[%swap3A_803, %swap3A_804] {strides = array<i32>} : memref<4x13824xf32, #tpu.memory_space<vmem>>, vector<1x16xf32>,
        %swap3A_806 = vector.shape_cast %swap3A_805 : vector<1x16xf32> to vector<16xf32>
        %swap3A_807 = vector.shape_cast %add3A_802 : vector<16xf32> to vector<1x16xf32>
        tpu.vector_store %arg6[%swap3A_803, %swap3A_804], %swap3A_807 {strides = array<i32>} : memref<4x13824xf32, #tpu.memory_space<vmem>>, vector<1x16xf32>,
      }
      %scan3A_598 = arith.constant 864 : i32
      %mul3A_599 = arith.constant 442368 : i32
      %mul3A_600 = arith.muli %add3A_577, %mul3A_599 : i32
      %add3A_601 = arith.addi %mul3A_600, %mul3A_2 : i32
      %dma_start3A_602 = arith.constant 1 : i32
      %dma_start3A_603 = arith.constant 1 : i32
      %dma_start3A_604 = arith.constant 0 : i32
      %dma_start3A_605 = tpu.memref_slice %arg6[%dma_start3A_602, %dma_start3A_604] : memref<4x13824xf32, #tpu.memory_space<vmem>> -> memref<1x13824xf32, #tpu.memory_space<vmem>>
      %dma_start3A_606 = tpu.memref_squeeze %dma_start3A_605 : memref<1x13824xf32, #tpu.memory_space<vmem>> -> memref<13824xf32, #tpu.memory_space<vmem>>
      %dma_start3A_607 = tpu.memref_slice %arg4[%add3A_601] : memref<28311552xf32, #tpu.memory_space<hbm>> -> memref<13824xf32, #tpu.memory_space<hbm>>
      %dma_start3A_608 = tpu.memref_slice %arg8[%dma_start3A_603] : memref<4x!tpu.dma_semaphore, #tpu.memory_space<semaphore_mem>> -> memref<1x!tpu.dma_semaphore, #tpu.memory_space<semaphore_mem>>
      %dma_start3A_609 = tpu.memref_squeeze %dma_start3A_608 : memref<1x!tpu.dma_semaphore, #tpu.memory_space<semaphore_mem>> -> memref<!tpu.dma_semaphore, #tpu.memory_space<semaphore_mem>>
      %dma_start3A_610 = tpu.memref_slice %arg4[%add3A_601] : memref<28311552xf32, #tpu.memory_space<hbm>> -> memref<13824xf32, #tpu.memory_space<hbm>>
      %dma_start3A_611 = arith.constant 0 : i32
      %dma_start3A_612 = tpu.memref_slice %arg6[%dma_start3A_602, %dma_start3A_611] : memref<4x13824xf32, #tpu.memory_space<vmem>> -> memref<1x13824xf32, #tpu.memory_space<vmem>>
      %dma_start3A_613 = tpu.memref_squeeze %dma_start3A_612 : memref<1x13824xf32, #tpu.memory_space<vmem>> -> memref<13824xf32, #tpu.memory_space<vmem>>
      tpu.enqueue_dma source(%dma_start3A_613 : memref<13824xf32, #tpu.memory_space<vmem>>) target(%dma_start3A_610 : memref<13824xf32, #tpu.memory_space<hbm>>) target_semaphore(%dma_start3A_609 : memref<!tpu.dma_semaphore, #tpu.memory_space<semaphore_mem>>)
      %add3A_614 = arith.constant 2 : i32
      %add3A_615 = arith.addi %add3A_577, %add3A_614 : i32
      %sub3A_616 = arith.constant 4 : i32
      %sub3A_617 = arith.subi %add3A_615, %sub3A_616 : i32
      %mul3A_618 = arith.constant 442368 : i32
      %mul3A_619 = arith.muli %sub3A_617, %mul3A_618 : i32
      %add3A_620 = arith.addi %mul3A_619, %mul3A_2 : i32
      %dma_wait3A_621 = arith.constant 3 : i32
      %dma_wait3A_622 = arith.constant 3 : i32
      %dma_wait3A_623 = arith.constant 0 : i32
      %dma_wait3A_624 = tpu.memref_slice %arg6[%dma_wait3A_621, %dma_wait3A_623] : memref<4x13824xf32, #tpu.memory_space<vmem>> -> memref<1x13824xf32, #tpu.memory_space<vmem>>
      %dma_wait3A_625 = tpu.memref_squeeze %dma_wait3A_624 : memref<1x13824xf32, #tpu.memory_space<vmem>> -> memref<13824xf32, #tpu.memory_space<vmem>>
      %dma_wait3A_626 = tpu.memref_slice %arg4[%add3A_620] : memref<28311552xf32, #tpu.memory_space<hbm>> -> memref<13824xf32, #tpu.memory_space<hbm>>
      %dma_wait3A_627 = tpu.memref_slice %arg8[%dma_wait3A_622] : memref<4x!tpu.dma_semaphore, #tpu.memory_space<semaphore_mem>> -> memref<1x!tpu.dma_semaphore, #tpu.memory_space<semaphore_mem>>
      %dma_wait3A_628 = tpu.memref_squeeze %dma_wait3A_627 : memref<1x!tpu.dma_semaphore, #tpu.memory_space<semaphore_mem>> -> memref<!tpu.dma_semaphore, #tpu.memory_space<semaphore_mem>>
      %dma_wait3A_629 = tpu.memref_slice %arg4[%add3A_620] : memref<28311552xf32, #tpu.memory_space<hbm>> -> memref<13824xf32, #tpu.memory_space<hbm>>
      %dma_wait3A_630 = arith.constant 0 : i32
      %dma_wait3A_631 = tpu.memref_slice %arg6[%dma_wait3A_621, %dma_wait3A_630] : memref<4x13824xf32, #tpu.memory_space<vmem>> -> memref<1x13824xf32, #tpu.memory_space<vmem>>
      %dma_wait3A_632 = tpu.memref_squeeze %dma_wait3A_631 : memref<1x13824xf32, #tpu.memory_space<vmem>> -> memref<13824xf32, #tpu.memory_space<vmem>>
      tpu.wait_dma2 semaphore(%dma_wait3A_628 : memref<!tpu.dma_semaphore, #tpu.memory_space<semaphore_mem>>) src(%dma_wait3A_632 : memref<13824xf32, #tpu.memory_space<vmem>>) dst(%dma_wait3A_629 : memref<13824xf32, #tpu.memory_space<hbm>>)
      %mul3A_633 = arith.constant 442368 : i32
      %mul3A_634 = arith.muli %add3A_615, %mul3A_633 : i32
      %add3A_635 = arith.addi %mul3A_634, %mul3A_2 : i32
      %dma_start3A_636 = arith.constant 3 : i32
      %dma_start3A_637 = arith.constant 3 : i32
      %dma_start3A_638 = arith.constant 0 : i32
      %dma_start3A_639 = tpu.memref_slice %arg6[%dma_start3A_636, %dma_start3A_638] : memref<4x13824xf32, #tpu.memory_space<vmem>> -> memref<1x13824xf32, #tpu.memory_space<vmem>>
      %dma_start3A_640 = tpu.memref_squeeze %dma_start3A_639 : memref<1x13824xf32, #tpu.memory_space<vmem>> -> memref<13824xf32, #tpu.memory_space<vmem>>
      %dma_start3A_641 = tpu.memref_slice %arg2[%add3A_635] : memref<28311552xf32, #tpu.memory_space<hbm>> -> memref<13824xf32, #tpu.memory_space<hbm>>
      %dma_start3A_642 = tpu.memref_slice %arg7[%dma_start3A_637] : memref<4x!tpu.dma_semaphore, #tpu.memory_space<semaphore_mem>> -> memref<1x!tpu.dma_semaphore, #tpu.memory_space<semaphore_mem>>
      %dma_start3A_643 = tpu.memref_squeeze %dma_start3A_642 : memref<1x!tpu.dma_semaphore, #tpu.memory_space<semaphore_mem>> -> memref<!tpu.dma_semaphore, #tpu.memory_space<semaphore_mem>>
      %dma_start3A_644 = arith.constant 0 : i32
      %dma_start3A_645 = tpu.memref_slice %arg6[%dma_start3A_636, %dma_start3A_644] : memref<4x13824xf32, #tpu.memory_space<vmem>> -> memref<1x13824xf32, #tpu.memory_space<vmem>>
      %dma_start3A_646 = tpu.memref_squeeze %dma_start3A_645 : memref<1x13824xf32, #tpu.memory_space<vmem>> -> memref<13824xf32, #tpu.memory_space<vmem>>
      %dma_start3A_647 = tpu.memref_slice %arg2[%add3A_635] : memref<28311552xf32, #tpu.memory_space<hbm>> -> memref<13824xf32, #tpu.memory_space<hbm>>
      tpu.enqueue_dma source(%dma_start3A_647 : memref<13824xf32, #tpu.memory_space<hbm>>) target(%dma_start3A_646 : memref<13824xf32, #tpu.memory_space<vmem>>) target_semaphore(%dma_start3A_643 : memref<!tpu.dma_semaphore, #tpu.memory_space<semaphore_mem>>)
      %add3A_648 = arith.constant 2 : i32
      %add3A_649 = arith.addi %mul3A_504, %add3A_648 : i32
      %mul3A_650 = arith.constant 442368 : i32
      %mul3A_651 = arith.muli %add3A_649, %mul3A_650 : i32
      %add3A_652 = arith.addi %mul3A_651, %mul3A_2 : i32
      %dma_wait3A_653 = arith.constant 2 : i32
      %dma_wait3A_654 = arith.constant 2 : i32
      %dma_wait3A_655 = arith.constant 0 : i32
      %dma_wait3A_656 = tpu.memref_slice %arg6[%dma_wait3A_653, %dma_wait3A_655] : memref<4x13824xf32, #tpu.memory_space<vmem>> -> memref<1x13824xf32, #tpu.memory_space<vmem>>
      %dma_wait3A_657 = tpu.memref_squeeze %dma_wait3A_656 : memref<1x13824xf32, #tpu.memory_space<vmem>> -> memref<13824xf32, #tpu.memory_space<vmem>>
      %dma_wait3A_658 = tpu.memref_slice %arg2[%add3A_652] : memref<28311552xf32, #tpu.memory_space<hbm>> -> memref<13824xf32, #tpu.memory_space<hbm>>
      %dma_wait3A_659 = tpu.memref_slice %arg7[%dma_wait3A_654] : memref<4x!tpu.dma_semaphore, #tpu.memory_space<semaphore_mem>> -> memref<1x!tpu.dma_semaphore, #tpu.memory_space<semaphore_mem>>
      %dma_wait3A_660 = tpu.memref_squeeze %dma_wait3A_659 : memref<1x!tpu.dma_semaphore, #tpu.memory_space<semaphore_mem>> -> memref<!tpu.dma_semaphore, #tpu.memory_space<semaphore_mem>>
      %dma_wait3A_661 = arith.constant 0 : i32
      %dma_wait3A_662 = tpu.memref_slice %arg6[%dma_wait3A_653, %dma_wait3A_661] : memref<4x13824xf32, #tpu.memory_space<vmem>> -> memref<1x13824xf32, #tpu.memory_space<vmem>>
      %dma_wait3A_663 = tpu.memref_squeeze %dma_wait3A_662 : memref<1x13824xf32, #tpu.memory_space<vmem>> -> memref<13824xf32, #tpu.memory_space<vmem>>
      %dma_wait3A_664 = tpu.memref_slice %arg2[%add3A_652] : memref<28311552xf32, #tpu.memory_space<hbm>> -> memref<13824xf32, #tpu.memory_space<hbm>>
      tpu.wait_dma2 semaphore(%dma_wait3A_660 : memref<!tpu.dma_semaphore, #tpu.memory_space<semaphore_mem>>) src(%dma_wait3A_664 : memref<13824xf32, #tpu.memory_space<hbm>>) dst(%dma_wait3A_663 : memref<13824xf32, #tpu.memory_space<vmem>>)
      %scan3A_665 = arith.constant 0 : i32
      %scan3A_666 = arith.constant 0 : i32
      %scan3A_667 = arith.constant 864 : i32
      %scan3A_668 = arith.addi %scan3A_666, %scan3A_667 : i32
      %scan3A_669 = arith.constant 1 : i32
      scf.for %scan3A_792 = %scan3A_666 to %scan3A_668 step %scan3A_669  : i32 {
        %mul3A_793 = arith.constant 16 : i32
        %mul3A_794 = arith.muli %scan3A_792, %mul3A_793 : i32
        %get3A = arith.constant 2 : i32
        %get3A_795 = arith.index_cast %get3A : i32 to index
        %get3A_796 = arith.index_cast %mul3A_794 : i32 to index
        %get3A_797 = tpu.vector_load %arg6[%get3A_795, %get3A_796] {strides = array<i32>} : memref<4x13824xf32, #tpu.memory_space<vmem>>, vector<1x16xf32>,
        %get3A_798 = vector.shape_cast %get3A_797 : vector<1x16xf32> to vector<16xf32>
        %get3A_799 = arith.index_cast %mul3A_794 : i32 to index
        %get3A_800 = tpu.vector_load %arg5[%get3A_799] {strides = array<i32>} : memref<13824xf32, #tpu.memory_space<vmem>>, vector<16xf32>,
        %get3A_801 = vector.shape_cast %get3A_800 : vector<16xf32> to vector<16xf32>
        %add3A_802 = arith.addf %get3A_798, %get3A_801 : vector<16xf32>
        %swap3A = arith.constant 2 : i32
        %swap3A_803 = arith.index_cast %swap3A : i32 to index
        %swap3A_804 = arith.index_cast %mul3A_794 : i32 to index
        %swap3A_805 = tpu.vector_load %arg6[%swap3A_803, %swap3A_804] {strides = array<i32>} : memref<4x13824xf32, #tpu.memory_space<vmem>>, vector<1x16xf32>,
        %swap3A_806 = vector.shape_cast %swap3A_805 : vector<1x16xf32> to vector<16xf32>
        %swap3A_807 = vector.shape_cast %add3A_802 : vector<16xf32> to vector<1x16xf32>
        tpu.vector_store %arg6[%swap3A_803, %swap3A_804], %swap3A_807 {strides = array<i32>} : memref<4x13824xf32, #tpu.memory_space<vmem>>, vector<1x16xf32>,
      }
      %scan3A_670 = arith.constant 864 : i32
      %mul3A_671 = arith.constant 442368 : i32
      %mul3A_672 = arith.muli %add3A_649, %mul3A_671 : i32
      %add3A_673 = arith.addi %mul3A_672, %mul3A_2 : i32
      %dma_start3A_674 = arith.constant 2 : i32
      %dma_start3A_675 = arith.constant 2 : i32
      %dma_start3A_676 = arith.constant 0 : i32
      %dma_start3A_677 = tpu.memref_slice %arg6[%dma_start3A_674, %dma_start3A_676] : memref<4x13824xf32, #tpu.memory_space<vmem>> -> memref<1x13824xf32, #tpu.memory_space<vmem>>
      %dma_start3A_678 = tpu.memref_squeeze %dma_start3A_677 : memref<1x13824xf32, #tpu.memory_space<vmem>> -> memref<13824xf32, #tpu.memory_space<vmem>>
      %dma_start3A_679 = tpu.memref_slice %arg4[%add3A_673] : memref<28311552xf32, #tpu.memory_space<hbm>> -> memref<13824xf32, #tpu.memory_space<hbm>>
      %dma_start3A_680 = tpu.memref_slice %arg8[%dma_start3A_675] : memref<4x!tpu.dma_semaphore, #tpu.memory_space<semaphore_mem>> -> memref<1x!tpu.dma_semaphore, #tpu.memory_space<semaphore_mem>>
      %dma_start3A_681 = tpu.memref_squeeze %dma_start3A_680 : memref<1x!tpu.dma_semaphore, #tpu.memory_space<semaphore_mem>> -> memref<!tpu.dma_semaphore, #tpu.memory_space<semaphore_mem>>
      %dma_start3A_682 = tpu.memref_slice %arg4[%add3A_673] : memref<28311552xf32, #tpu.memory_space<hbm>> -> memref<13824xf32, #tpu.memory_space<hbm>>
      %dma_start3A_683 = arith.constant 0 : i32
      %dma_start3A_684 = tpu.memref_slice %arg6[%dma_start3A_674, %dma_start3A_683] : memref<4x13824xf32, #tpu.memory_space<vmem>> -> memref<1x13824xf32, #tpu.memory_space<vmem>>
      %dma_start3A_685 = tpu.memref_squeeze %dma_start3A_684 : memref<1x13824xf32, #tpu.memory_space<vmem>> -> memref<13824xf32, #tpu.memory_space<vmem>>
      tpu.enqueue_dma source(%dma_start3A_685 : memref<13824xf32, #tpu.memory_space<vmem>>) target(%dma_start3A_682 : memref<13824xf32, #tpu.memory_space<hbm>>) target_semaphore(%dma_start3A_681 : memref<!tpu.dma_semaphore, #tpu.memory_space<semaphore_mem>>)
      %add3A_686 = arith.constant 2 : i32
      %add3A_687 = arith.addi %add3A_649, %add3A_686 : i32
      %sub3A_688 = arith.constant 4 : i32
      %sub3A_689 = arith.subi %add3A_687, %sub3A_688 : i32
      %mul3A_690 = arith.constant 442368 : i32
      %mul3A_691 = arith.muli %sub3A_689, %mul3A_690 : i32
      %add3A_692 = arith.addi %mul3A_691, %mul3A_2 : i32
      %dma_wait3A_693 = arith.constant 0 : i32
      %dma_wait3A_694 = arith.constant 0 : i32
      %dma_wait3A_695 = arith.constant 0 : i32
      %dma_wait3A_696 = tpu.memref_slice %arg6[%dma_wait3A_693, %dma_wait3A_695] : memref<4x13824xf32, #tpu.memory_space<vmem>> -> memref<1x13824xf32, #tpu.memory_space<vmem>>
      %dma_wait3A_697 = tpu.memref_squeeze %dma_wait3A_696 : memref<1x13824xf32, #tpu.memory_space<vmem>> -> memref<13824xf32, #tpu.memory_space<vmem>>
      %dma_wait3A_698 = tpu.memref_slice %arg4[%add3A_692] : memref<28311552xf32, #tpu.memory_space<hbm>> -> memref<13824xf32, #tpu.memory_space<hbm>>
      %dma_wait3A_699 = tpu.memref_slice %arg8[%dma_wait3A_694] : memref<4x!tpu.dma_semaphore, #tpu.memory_space<semaphore_mem>> -> memref<1x!tpu.dma_semaphore, #tpu.memory_space<semaphore_mem>>
      %dma_wait3A_700 = tpu.memref_squeeze %dma_wait3A_699 : memref<1x!tpu.dma_semaphore, #tpu.memory_space<semaphore_mem>> -> memref<!tpu.dma_semaphore, #tpu.memory_space<semaphore_mem>>
      %dma_wait3A_701 = tpu.memref_slice %arg4[%add3A_692] : memref<28311552xf32, #tpu.memory_space<hbm>> -> memref<13824xf32, #tpu.memory_space<hbm>>
      %dma_wait3A_702 = arith.constant 0 : i32
      %dma_wait3A_703 = tpu.memref_slice %arg6[%dma_wait3A_693, %dma_wait3A_702] : memref<4x13824xf32, #tpu.memory_space<vmem>> -> memref<1x13824xf32, #tpu.memory_space<vmem>>
      %dma_wait3A_704 = tpu.memref_squeeze %dma_wait3A_703 : memref<1x13824xf32, #tpu.memory_space<vmem>> -> memref<13824xf32, #tpu.memory_space<vmem>>
      tpu.wait_dma2 semaphore(%dma_wait3A_700 : memref<!tpu.dma_semaphore, #tpu.memory_space<semaphore_mem>>) src(%dma_wait3A_704 : memref<13824xf32, #tpu.memory_space<vmem>>) dst(%dma_wait3A_701 : memref<13824xf32, #tpu.memory_space<hbm>>)
      %mul3A_705 = arith.constant 442368 : i32
      %mul3A_706 = arith.muli %add3A_687, %mul3A_705 : i32
      %add3A_707 = arith.addi %mul3A_706, %mul3A_2 : i32
      %dma_start3A_708 = arith.constant 0 : i32
      %dma_start3A_709 = arith.constant 0 : i32
      %dma_start3A_710 = arith.constant 0 : i32
      %dma_start3A_711 = tpu.memref_slice %arg6[%dma_start3A_708, %dma_start3A_710] : memref<4x13824xf32, #tpu.memory_space<vmem>> -> memref<1x13824xf32, #tpu.memory_space<vmem>>
      %dma_start3A_712 = tpu.memref_squeeze %dma_start3A_711 : memref<1x13824xf32, #tpu.memory_space<vmem>> -> memref<13824xf32, #tpu.memory_space<vmem>>
      %dma_start3A_713 = tpu.memref_slice %arg2[%add3A_707] : memref<28311552xf32, #tpu.memory_space<hbm>> -> memref<13824xf32, #tpu.memory_space<hbm>>
      %dma_start3A_714 = tpu.memref_slice %arg7[%dma_start3A_709] : memref<4x!tpu.dma_semaphore, #tpu.memory_space<semaphore_mem>> -> memref<1x!tpu.dma_semaphore, #tpu.memory_space<semaphore_mem>>
      %dma_start3A_715 = tpu.memref_squeeze %dma_start3A_714 : memref<1x!tpu.dma_semaphore, #tpu.memory_space<semaphore_mem>> -> memref<!tpu.dma_semaphore, #tpu.memory_space<semaphore_mem>>
      %dma_start3A_716 = arith.constant 0 : i32
      %dma_start3A_717 = tpu.memref_slice %arg6[%dma_start3A_708, %dma_start3A_716] : memref<4x13824xf32, #tpu.memory_space<vmem>> -> memref<1x13824xf32, #tpu.memory_space<vmem>>
      %dma_start3A_718 = tpu.memref_squeeze %dma_start3A_717 : memref<1x13824xf32, #tpu.memory_space<vmem>> -> memref<13824xf32, #tpu.memory_space<vmem>>
      %dma_start3A_719 = tpu.memref_slice %arg2[%add3A_707] : memref<28311552xf32, #tpu.memory_space<hbm>> -> memref<13824xf32, #tpu.memory_space<hbm>>
      tpu.enqueue_dma source(%dma_start3A_719 : memref<13824xf32, #tpu.memory_space<hbm>>) target(%dma_start3A_718 : memref<13824xf32, #tpu.memory_space<vmem>>) target_semaphore(%dma_start3A_715 : memref<!tpu.dma_semaphore, #tpu.memory_space<semaphore_mem>>)
      %add3A_720 = arith.constant 3 : i32
      %add3A_721 = arith.addi %mul3A_504, %add3A_720 : i32
      %mul3A_722 = arith.constant 442368 : i32
      %mul3A_723 = arith.muli %add3A_721, %mul3A_722 : i32
      %add3A_724 = arith.addi %mul3A_723, %mul3A_2 : i32
      %dma_wait3A_725 = arith.constant 3 : i32
      %dma_wait3A_726 = arith.constant 3 : i32
      %dma_wait3A_727 = arith.constant 0 : i32
      %dma_wait3A_728 = tpu.memref_slice %arg6[%dma_wait3A_725, %dma_wait3A_727] : memref<4x13824xf32, #tpu.memory_space<vmem>> -> memref<1x13824xf32, #tpu.memory_space<vmem>>
      %dma_wait3A_729 = tpu.memref_squeeze %dma_wait3A_728 : memref<1x13824xf32, #tpu.memory_space<vmem>> -> memref<13824xf32, #tpu.memory_space<vmem>>
      %dma_wait3A_730 = tpu.memref_slice %arg2[%add3A_724] : memref<28311552xf32, #tpu.memory_space<hbm>> -> memref<13824xf32, #tpu.memory_space<hbm>>
      %dma_wait3A_731 = tpu.memref_slice %arg7[%dma_wait3A_726] : memref<4x!tpu.dma_semaphore, #tpu.memory_space<semaphore_mem>> -> memref<1x!tpu.dma_semaphore, #tpu.memory_space<semaphore_mem>>
      %dma_wait3A_732 = tpu.memref_squeeze %dma_wait3A_731 : memref<1x!tpu.dma_semaphore, #tpu.memory_space<semaphore_mem>> -> memref<!tpu.dma_semaphore, #tpu.memory_space<semaphore_mem>>
      %dma_wait3A_733 = arith.constant 0 : i32
      %dma_wait3A_734 = tpu.memref_slice %arg6[%dma_wait3A_725, %dma_wait3A_733] : memref<4x13824xf32, #tpu.memory_space<vmem>> -> memref<1x13824xf32, #tpu.memory_space<vmem>>
      %dma_wait3A_735 = tpu.memref_squeeze %dma_wait3A_734 : memref<1x13824xf32, #tpu.memory_space<vmem>> -> memref<13824xf32, #tpu.memory_space<vmem>>
      %dma_wait3A_736 = tpu.memref_slice %arg2[%add3A_724] : memref<28311552xf32, #tpu.memory_space<hbm>> -> memref<13824xf32, #tpu.memory_space<hbm>>
      tpu.wait_dma2 semaphore(%dma_wait3A_732 : memref<!tpu.dma_semaphore, #tpu.memory_space<semaphore_mem>>) src(%dma_wait3A_736 : memref<13824xf32, #tpu.memory_space<hbm>>) dst(%dma_wait3A_735 : memref<13824xf32, #tpu.memory_space<vmem>>)
      %scan3A_737 = arith.constant 0 : i32
      %scan3A_738 = arith.constant 0 : i32
      %scan3A_739 = arith.constant 864 : i32
      %scan3A_740 = arith.addi %scan3A_738, %scan3A_739 : i32
      %scan3A_741 = arith.constant 1 : i32
      scf.for %scan3A_792 = %scan3A_738 to %scan3A_740 step %scan3A_741  : i32 {
        %mul3A_793 = arith.constant 16 : i32
        %mul3A_794 = arith.muli %scan3A_792, %mul3A_793 : i32
        %get3A = arith.constant 3 : i32
        %get3A_795 = arith.index_cast %get3A : i32 to index
        %get3A_796 = arith.index_cast %mul3A_794 : i32 to index
        %get3A_797 = tpu.vector_load %arg6[%get3A_795, %get3A_796] {strides = array<i32>} : memref<4x13824xf32, #tpu.memory_space<vmem>>, vector<1x16xf32>,
        %get3A_798 = vector.shape_cast %get3A_797 : vector<1x16xf32> to vector<16xf32>
        %get3A_799 = arith.index_cast %mul3A_794 : i32 to index
        %get3A_800 = tpu.vector_load %arg5[%get3A_799] {strides = array<i32>} : memref<13824xf32, #tpu.memory_space<vmem>>, vector<16xf32>,
        %get3A_801 = vector.shape_cast %get3A_800 : vector<16xf32> to vector<16xf32>
        %add3A_802 = arith.addf %get3A_798, %get3A_801 : vector<16xf32>
        %swap3A = arith.constant 3 : i32
        %swap3A_803 = arith.index_cast %swap3A : i32 to index
        %swap3A_804 = arith.index_cast %mul3A_794 : i32 to index
        %swap3A_805 = tpu.vector_load %arg6[%swap3A_803, %swap3A_804] {strides = array<i32>} : memref<4x13824xf32, #tpu.memory_space<vmem>>, vector<1x16xf32>,
        %swap3A_806 = vector.shape_cast %swap3A_805 : vector<1x16xf32> to vector<16xf32>
        %swap3A_807 = vector.shape_cast %add3A_802 : vector<16xf32> to vector<1x16xf32>
        tpu.vector_store %arg6[%swap3A_803, %swap3A_804], %swap3A_807 {strides = array<i32>} : memref<4x13824xf32, #tpu.memory_space<vmem>>, vector<1x16xf32>,
      }
      %scan3A_742 = arith.constant 864 : i32
      %mul3A_743 = arith.constant 442368 : i32
      %mul3A_744 = arith.muli %add3A_721, %mul3A_743 : i32
      %add3A_745 = arith.addi %mul3A_744, %mul3A_2 : i32
      %dma_start3A_746 = arith.constant 3 : i32
      %dma_start3A_747 = arith.constant 3 : i32
      %dma_start3A_748 = arith.constant 0 : i32
      %dma_start3A_749 = tpu.memref_slice %arg6[%dma_start3A_746, %dma_start3A_748] : memref<4x13824xf32, #tpu.memory_space<vmem>> -> memref<1x13824xf32, #tpu.memory_space<vmem>>
      %dma_start3A_750 = tpu.memref_squeeze %dma_start3A_749 : memref<1x13824xf32, #tpu.memory_space<vmem>> -> memref<13824xf32, #tpu.memory_space<vmem>>
      %dma_start3A_751 = tpu.memref_slice %arg4[%add3A_745] : memref<28311552xf32, #tpu.memory_space<hbm>> -> memref<13824xf32, #tpu.memory_space<hbm>>
      %dma_start3A_752 = tpu.memref_slice %arg8[%dma_start3A_747] : memref<4x!tpu.dma_semaphore, #tpu.memory_space<semaphore_mem>> -> memref<1x!tpu.dma_semaphore, #tpu.memory_space<semaphore_mem>>
      %dma_start3A_753 = tpu.memref_squeeze %dma_start3A_752 : memref<1x!tpu.dma_semaphore, #tpu.memory_space<semaphore_mem>> -> memref<!tpu.dma_semaphore, #tpu.memory_space<semaphore_mem>>
      %dma_start3A_754 = tpu.memref_slice %arg4[%add3A_745] : memref<28311552xf32, #tpu.memory_space<hbm>> -> memref<13824xf32, #tpu.memory_space<hbm>>
      %dma_start3A_755 = arith.constant 0 : i32
      %dma_start3A_756 = tpu.memref_slice %arg6[%dma_start3A_746, %dma_start3A_755] : memref<4x13824xf32, #tpu.memory_space<vmem>> -> memref<1x13824xf32, #tpu.memory_space<vmem>>
      %dma_start3A_757 = tpu.memref_squeeze %dma_start3A_756 : memref<1x13824xf32, #tpu.memory_space<vmem>> -> memref<13824xf32, #tpu.memory_space<vmem>>
      tpu.enqueue_dma source(%dma_start3A_757 : memref<13824xf32, #tpu.memory_space<vmem>>) target(%dma_start3A_754 : memref<13824xf32, #tpu.memory_space<hbm>>) target_semaphore(%dma_start3A_753 : memref<!tpu.dma_semaphore, #tpu.memory_space<semaphore_mem>>)
      %add3A_758 = arith.constant 2 : i32
      %add3A_759 = arith.addi %add3A_721, %add3A_758 : i32
      %sub3A_760 = arith.constant 4 : i32
      %sub3A_761 = arith.subi %add3A_759, %sub3A_760 : i32
      %mul3A_762 = arith.constant 442368 : i32
      %mul3A_763 = arith.muli %sub3A_761, %mul3A_762 : i32
      %add3A_764 = arith.addi %mul3A_763, %mul3A_2 : i32
      %dma_wait3A_765 = arith.constant 1 : i32
      %dma_wait3A_766 = arith.constant 1 : i32
      %dma_wait3A_767 = arith.constant 0 : i32
      %dma_wait3A_768 = tpu.memref_slice %arg6[%dma_wait3A_765, %dma_wait3A_767] : memref<4x13824xf32, #tpu.memory_space<vmem>> -> memref<1x13824xf32, #tpu.memory_space<vmem>>
      %dma_wait3A_769 = tpu.memref_squeeze %dma_wait3A_768 : memref<1x13824xf32, #tpu.memory_space<vmem>> -> memref<13824xf32, #tpu.memory_space<vmem>>
      %dma_wait3A_770 = tpu.memref_slice %arg4[%add3A_764] : memref<28311552xf32, #tpu.memory_space<hbm>> -> memref<13824xf32, #tpu.memory_space<hbm>>
      %dma_wait3A_771 = tpu.memref_slice %arg8[%dma_wait3A_766] : memref<4x!tpu.dma_semaphore, #tpu.memory_space<semaphore_mem>> -> memref<1x!tpu.dma_semaphore, #tpu.memory_space<semaphore_mem>>
      %dma_wait3A_772 = tpu.memref_squeeze %dma_wait3A_771 : memref<1x!tpu.dma_semaphore, #tpu.memory_space<semaphore_mem>> -> memref<!tpu.dma_semaphore, #tpu.memory_space<semaphore_mem>>
      %dma_wait3A_773 = tpu.memref_slice %arg4[%add3A_764] : memref<28311552xf32, #tpu.memory_space<hbm>> -> memref<13824xf32, #tpu.memory_space<hbm>>
      %dma_wait3A_774 = arith.constant 0 : i32
      %dma_wait3A_775 = tpu.memref_slice %arg6[%dma_wait3A_765, %dma_wait3A_774] : memref<4x13824xf32, #tpu.memory_space<vmem>> -> memref<1x13824xf32, #tpu.memory_space<vmem>>
      %dma_wait3A_776 = tpu.memref_squeeze %dma_wait3A_775 : memref<1x13824xf32, #tpu.memory_space<vmem>> -> memref<13824xf32, #tpu.memory_space<vmem>>
      tpu.wait_dma2 semaphore(%dma_wait3A_772 : memref<!tpu.dma_semaphore, #tpu.memory_space<semaphore_mem>>) src(%dma_wait3A_776 : memref<13824xf32, #tpu.memory_space<vmem>>) dst(%dma_wait3A_773 : memref<13824xf32, #tpu.memory_space<hbm>>)
      %mul3A_777 = arith.constant 442368 : i32
      %mul3A_778 = arith.muli %add3A_759, %mul3A_777 : i32
      %add3A_779 = arith.addi %mul3A_778, %mul3A_2 : i32
      %dma_start3A_780 = arith.constant 1 : i32
      %dma_start3A_781 = arith.constant 1 : i32
      %dma_start3A_782 = arith.constant 0 : i32
      %dma_start3A_783 = tpu.memref_slice %arg6[%dma_start3A_780, %dma_start3A_782] : memref<4x13824xf32, #tpu.memory_space<vmem>> -> memref<1x13824xf32, #tpu.memory_space<vmem>>
      %dma_start3A_784 = tpu.memref_squeeze %dma_start3A_783 : memref<1x13824xf32, #tpu.memory_space<vmem>> -> memref<13824xf32, #tpu.memory_space<vmem>>
      %dma_start3A_785 = tpu.memref_slice %arg2[%add3A_779] : memref<28311552xf32, #tpu.memory_space<hbm>> -> memref<13824xf32, #tpu.memory_space<hbm>>
      %dma_start3A_786 = tpu.memref_slice %arg7[%dma_start3A_781] : memref<4x!tpu.dma_semaphore, #tpu.memory_space<semaphore_mem>> -> memref<1x!tpu.dma_semaphore, #tpu.memory_space<semaphore_mem>>
      %dma_start3A_787 = tpu.memref_squeeze %dma_start3A_786 : memref<1x!tpu.dma_semaphore, #tpu.memory_space<semaphore_mem>> -> memref<!tpu.dma_semaphore, #tpu.memory_space<semaphore_mem>>
      %dma_start3A_788 = arith.constant 0 : i32
      %dma_start3A_789 = tpu.memref_slice %arg6[%dma_start3A_780, %dma_start3A_788] : memref<4x13824xf32, #tpu.memory_space<vmem>> -> memref<1x13824xf32, #tpu.memory_space<vmem>>
      %dma_start3A_790 = tpu.memref_squeeze %dma_start3A_789 : memref<1x13824xf32, #tpu.memory_space<vmem>> -> memref<13824xf32, #tpu.memory_space<vmem>>
      %dma_start3A_791 = tpu.memref_slice %arg2[%add3A_779] : memref<28311552xf32, #tpu.memory_space<hbm>> -> memref<13824xf32, #tpu.memory_space<hbm>>
      tpu.enqueue_dma source(%dma_start3A_791 : memref<13824xf32, #tpu.memory_space<hbm>>) target(%dma_start3A_790 : memref<13824xf32, #tpu.memory_space<vmem>>) target_semaphore(%dma_start3A_787 : memref<!tpu.dma_semaphore, #tpu.memory_space<semaphore_mem>>)
    }
    %scan3A_253 = arith.constant 14 : i32
    %add3A_254 = arith.constant 26542080 : i32
    %add3A_255 = arith.addi %add3A_254, %mul3A_2 : i32
    %dma_wait3A_256 = arith.constant 0 : i32
    %dma_wait3A_257 = arith.constant 0 : i32
    %dma_wait3A_258 = arith.constant 0 : i32
    %dma_wait3A_259 = tpu.memref_slice %arg6[%dma_wait3A_256, %dma_wait3A_258] : memref<4x13824xf32, #tpu.memory_space<vmem>> -> memref<1x13824xf32, #tpu.memory_space<vmem>>
    %dma_wait3A_260 = tpu.memref_squeeze %dma_wait3A_259 : memref<1x13824xf32, #tpu.memory_space<vmem>> -> memref<13824xf32, #tpu.memory_space<vmem>>
    %dma_wait3A_261 = tpu.memref_slice %arg2[%add3A_255] : memref<28311552xf32, #tpu.memory_space<hbm>> -> memref<13824xf32, #tpu.memory_space<hbm>>
    %dma_wait3A_262 = tpu.memref_slice %arg7[%dma_wait3A_257] : memref<4x!tpu.dma_semaphore, #tpu.memory_space<semaphore_mem>> -> memref<1x!tpu.dma_semaphore, #tpu.memory_space<semaphore_mem>>
    %dma_wait3A_263 = tpu.memref_squeeze %dma_wait3A_262 : memref<1x!tpu.dma_semaphore, #tpu.memory_space<semaphore_mem>> -> memref<!tpu.dma_semaphore, #tpu.memory_space<semaphore_mem>>
    %dma_wait3A_264 = arith.constant 0 : i32
    %dma_wait3A_265 = tpu.memref_slice %arg6[%dma_wait3A_256, %dma_wait3A_264] : memref<4x13824xf32, #tpu.memory_space<vmem>> -> memref<1x13824xf32, #tpu.memory_space<vmem>>
    %dma_wait3A_266 = tpu.memref_squeeze %dma_wait3A_265 : memref<1x13824xf32, #tpu.memory_space<vmem>> -> memref<13824xf32, #tpu.memory_space<vmem>>
    %dma_wait3A_267 = tpu.memref_slice %arg2[%add3A_255] : memref<28311552xf32, #tpu.memory_space<hbm>> -> memref<13824xf32, #tpu.memory_space<hbm>>
    tpu.wait_dma2 semaphore(%dma_wait3A_263 : memref<!tpu.dma_semaphore, #tpu.memory_space<semaphore_mem>>) src(%dma_wait3A_267 : memref<13824xf32, #tpu.memory_space<hbm>>) dst(%dma_wait3A_266 : memref<13824xf32, #tpu.memory_space<vmem>>)
    %scan3A_268 = arith.constant 0 : i32
    %scan3A_269 = arith.constant 0 : i32
    %scan3A_270 = arith.constant 864 : i32
    %scan3A_271 = arith.addi %scan3A_269, %scan3A_270 : i32
    %scan3A_272 = arith.constant 1 : i32
    scf.for %scan3A_502 = %scan3A_269 to %scan3A_271 step %scan3A_272  : i32 {
      %mul3A_503 = arith.constant 16 : i32
      %mul3A_504 = arith.muli %scan3A_502, %mul3A_503 : i32
      %get3A = arith.constant 0 : i32
      %get3A_505 = arith.index_cast %get3A : i32 to index
      %get3A_506 = arith.index_cast %mul3A_504 : i32 to index
      %get3A_507 = tpu.vector_load %arg6[%get3A_505, %get3A_506] {strides = array<i32>} : memref<4x13824xf32, #tpu.memory_space<vmem>>, vector<1x16xf32>,
      %get3A_508 = vector.shape_cast %get3A_507 : vector<1x16xf32> to vector<16xf32>
      %get3A_509 = arith.index_cast %mul3A_504 : i32 to index
      %get3A_510 = tpu.vector_load %arg5[%get3A_509] {strides = array<i32>} : memref<13824xf32, #tpu.memory_space<vmem>>, vector<16xf32>,
      %get3A_511 = vector.shape_cast %get3A_510 : vector<16xf32> to vector<16xf32>
      %add3A_512 = arith.addf %get3A_508, %get3A_511 : vector<16xf32>
      %swap3A = arith.constant 0 : i32
      %swap3A_513 = arith.index_cast %swap3A : i32 to index
      %swap3A_514 = arith.index_cast %mul3A_504 : i32 to index
      %swap3A_515 = tpu.vector_load %arg6[%swap3A_513, %swap3A_514] {strides = array<i32>} : memref<4x13824xf32, #tpu.memory_space<vmem>>, vector<1x16xf32>,
      %swap3A_516 = vector.shape_cast %swap3A_515 : vector<1x16xf32> to vector<16xf32>
      %swap3A_517 = vector.shape_cast %add3A_512 : vector<16xf32> to vector<1x16xf32>
      tpu.vector_store %arg6[%swap3A_513, %swap3A_514], %swap3A_517 {strides = array<i32>} : memref<4x13824xf32, #tpu.memory_space<vmem>>, vector<1x16xf32>,
    }
    %scan3A_273 = arith.constant 864 : i32
    %add3A_274 = arith.constant 26542080 : i32
    %add3A_275 = arith.addi %add3A_274, %mul3A_2 : i32
    %dma_start3A_276 = arith.constant 0 : i32
    %dma_start3A_277 = arith.constant 0 : i32
    %dma_start3A_278 = arith.constant 0 : i32
    %dma_start3A_279 = tpu.memref_slice %arg6[%dma_start3A_276, %dma_start3A_278] : memref<4x13824xf32, #tpu.memory_space<vmem>> -> memref<1x13824xf32, #tpu.memory_space<vmem>>
    %dma_start3A_280 = tpu.memref_squeeze %dma_start3A_279 : memref<1x13824xf32, #tpu.memory_space<vmem>> -> memref<13824xf32, #tpu.memory_space<vmem>>
    %dma_start3A_281 = tpu.memref_slice %arg4[%add3A_275] : memref<28311552xf32, #tpu.memory_space<hbm>> -> memref<13824xf32, #tpu.memory_space<hbm>>
    %dma_start3A_282 = tpu.memref_slice %arg8[%dma_start3A_277] : memref<4x!tpu.dma_semaphore, #tpu.memory_space<semaphore_mem>> -> memref<1x!tpu.dma_semaphore, #tpu.memory_space<semaphore_mem>>
    %dma_start3A_283 = tpu.memref_squeeze %dma_start3A_282 : memref<1x!tpu.dma_semaphore, #tpu.memory_space<semaphore_mem>> -> memref<!tpu.dma_semaphore, #tpu.memory_space<semaphore_mem>>
    %dma_start3A_284 = tpu.memref_slice %arg4[%add3A_275] : memref<28311552xf32, #tpu.memory_space<hbm>> -> memref<13824xf32, #tpu.memory_space<hbm>>
    %dma_start3A_285 = arith.constant 0 : i32
    %dma_start3A_286 = tpu.memref_slice %arg6[%dma_start3A_276, %dma_start3A_285] : memref<4x13824xf32, #tpu.memory_space<vmem>> -> memref<1x13824xf32, #tpu.memory_space<vmem>>
    %dma_start3A_287 = tpu.memref_squeeze %dma_start3A_286 : memref<1x13824xf32, #tpu.memory_space<vmem>> -> memref<13824xf32, #tpu.memory_space<vmem>>
    tpu.enqueue_dma source(%dma_start3A_287 : memref<13824xf32, #tpu.memory_space<vmem>>) target(%dma_start3A_284 : memref<13824xf32, #tpu.memory_space<hbm>>) target_semaphore(%dma_start3A_283 : memref<!tpu.dma_semaphore, #tpu.memory_space<semaphore_mem>>)
    %add3A_288 = arith.constant 25657344 : i32
    %add3A_289 = arith.addi %add3A_288, %mul3A_2 : i32
    %dma_wait3A_290 = arith.constant 2 : i32
    %dma_wait3A_291 = arith.constant 2 : i32
    %dma_wait3A_292 = arith.constant 0 : i32
    %dma_wait3A_293 = tpu.memref_slice %arg6[%dma_wait3A_290, %dma_wait3A_292] : memref<4x13824xf32, #tpu.memory_space<vmem>> -> memref<1x13824xf32, #tpu.memory_space<vmem>>
    %dma_wait3A_294 = tpu.memref_squeeze %dma_wait3A_293 : memref<1x13824xf32, #tpu.memory_space<vmem>> -> memref<13824xf32, #tpu.memory_space<vmem>>
    %dma_wait3A_295 = tpu.memref_slice %arg4[%add3A_289] : memref<28311552xf32, #tpu.memory_space<hbm>> -> memref<13824xf32, #tpu.memory_space<hbm>>
    %dma_wait3A_296 = tpu.memref_slice %arg8[%dma_wait3A_291] : memref<4x!tpu.dma_semaphore, #tpu.memory_space<semaphore_mem>> -> memref<1x!tpu.dma_semaphore, #tpu.memory_space<semaphore_mem>>
    %dma_wait3A_297 = tpu.memref_squeeze %dma_wait3A_296 : memref<1x!tpu.dma_semaphore, #tpu.memory_space<semaphore_mem>> -> memref<!tpu.dma_semaphore, #tpu.memory_space<semaphore_mem>>
    %dma_wait3A_298 = tpu.memref_slice %arg4[%add3A_289] : memref<28311552xf32, #tpu.memory_space<hbm>> -> memref<13824xf32, #tpu.memory_space<hbm>>
    %dma_wait3A_299 = arith.constant 0 : i32
    %dma_wait3A_300 = tpu.memref_slice %arg6[%dma_wait3A_290, %dma_wait3A_299] : memref<4x13824xf32, #tpu.memory_space<vmem>> -> memref<1x13824xf32, #tpu.memory_space<vmem>>
    %dma_wait3A_301 = tpu.memref_squeeze %dma_wait3A_300 : memref<1x13824xf32, #tpu.memory_space<vmem>> -> memref<13824xf32, #tpu.memory_space<vmem>>
    tpu.wait_dma2 semaphore(%dma_wait3A_297 : memref<!tpu.dma_semaphore, #tpu.memory_space<semaphore_mem>>) src(%dma_wait3A_301 : memref<13824xf32, #tpu.memory_space<vmem>>) dst(%dma_wait3A_298 : memref<13824xf32, #tpu.memory_space<hbm>>)
    %add3A_302 = arith.constant 27426816 : i32
    %add3A_303 = arith.addi %add3A_302, %mul3A_2 : i32
    %dma_start3A_304 = arith.constant 2 : i32
    %dma_start3A_305 = arith.constant 2 : i32
    %dma_start3A_306 = arith.constant 0 : i32
    %dma_start3A_307 = tpu.memref_slice %arg6[%dma_start3A_304, %dma_start3A_306] : memref<4x13824xf32, #tpu.memory_space<vmem>> -> memref<1x13824xf32, #tpu.memory_space<vmem>>
    %dma_start3A_308 = tpu.memref_squeeze %dma_start3A_307 : memref<1x13824xf32, #tpu.memory_space<vmem>> -> memref<13824xf32, #tpu.memory_space<vmem>>
    %dma_start3A_309 = tpu.memref_slice %arg2[%add3A_303] : memref<28311552xf32, #tpu.memory_space<hbm>> -> memref<13824xf32, #tpu.memory_space<hbm>>
    %dma_start3A_310 = tpu.memref_slice %arg7[%dma_start3A_305] : memref<4x!tpu.dma_semaphore, #tpu.memory_space<semaphore_mem>> -> memref<1x!tpu.dma_semaphore, #tpu.memory_space<semaphore_mem>>
    %dma_start3A_311 = tpu.memref_squeeze %dma_start3A_310 : memref<1x!tpu.dma_semaphore, #tpu.memory_space<semaphore_mem>> -> memref<!tpu.dma_semaphore, #tpu.memory_space<semaphore_mem>>
    %dma_start3A_312 = arith.constant 0 : i32
    %dma_start3A_313 = tpu.memref_slice %arg6[%dma_start3A_304, %dma_start3A_312] : memref<4x13824xf32, #tpu.memory_space<vmem>> -> memref<1x13824xf32, #tpu.memory_space<vmem>>
    %dma_start3A_314 = tpu.memref_squeeze %dma_start3A_313 : memref<1x13824xf32, #tpu.memory_space<vmem>> -> memref<13824xf32, #tpu.memory_space<vmem>>
    %dma_start3A_315 = tpu.memref_slice %arg2[%add3A_303] : memref<28311552xf32, #tpu.memory_space<hbm>> -> memref<13824xf32, #tpu.memory_space<hbm>>
    tpu.enqueue_dma source(%dma_start3A_315 : memref<13824xf32, #tpu.memory_space<hbm>>) target(%dma_start3A_314 : memref<13824xf32, #tpu.memory_space<vmem>>) target_semaphore(%dma_start3A_311 : memref<!tpu.dma_semaphore, #tpu.memory_space<semaphore_mem>>)
    %add3A_316 = arith.constant 26984448 : i32
    %add3A_317 = arith.addi %add3A_316, %mul3A_2 : i32
    %dma_wait3A_318 = arith.constant 1 : i32
    %dma_wait3A_319 = arith.constant 1 : i32
    %dma_wait3A_320 = arith.constant 0 : i32
    %dma_wait3A_321 = tpu.memref_slice %arg6[%dma_wait3A_318, %dma_wait3A_320] : memref<4x13824xf32, #tpu.memory_space<vmem>> -> memref<1x13824xf32, #tpu.memory_space<vmem>>
    %dma_wait3A_322 = tpu.memref_squeeze %dma_wait3A_321 : memref<1x13824xf32, #tpu.memory_space<vmem>> -> memref<13824xf32, #tpu.memory_space<vmem>>
    %dma_wait3A_323 = tpu.memref_slice %arg2[%add3A_317] : memref<28311552xf32, #tpu.memory_space<hbm>> -> memref<13824xf32, #tpu.memory_space<hbm>>
    %dma_wait3A_324 = tpu.memref_slice %arg7[%dma_wait3A_319] : memref<4x!tpu.dma_semaphore, #tpu.memory_space<semaphore_mem>> -> memref<1x!tpu.dma_semaphore, #tpu.memory_space<semaphore_mem>>
    %dma_wait3A_325 = tpu.memref_squeeze %dma_wait3A_324 : memref<1x!tpu.dma_semaphore, #tpu.memory_space<semaphore_mem>> -> memref<!tpu.dma_semaphore, #tpu.memory_space<semaphore_mem>>
    %dma_wait3A_326 = arith.constant 0 : i32
    %dma_wait3A_327 = tpu.memref_slice %arg6[%dma_wait3A_318, %dma_wait3A_326] : memref<4x13824xf32, #tpu.memory_space<vmem>> -> memref<1x13824xf32, #tpu.memory_space<vmem>>
    %dma_wait3A_328 = tpu.memref_squeeze %dma_wait3A_327 : memref<1x13824xf32, #tpu.memory_space<vmem>> -> memref<13824xf32, #tpu.memory_space<vmem>>
    %dma_wait3A_329 = tpu.memref_slice %arg2[%add3A_317] : memref<28311552xf32, #tpu.memory_space<hbm>> -> memref<13824xf32, #tpu.memory_space<hbm>>
    tpu.wait_dma2 semaphore(%dma_wait3A_325 : memref<!tpu.dma_semaphore, #tpu.memory_space<semaphore_mem>>) src(%dma_wait3A_329 : memref<13824xf32, #tpu.memory_space<hbm>>) dst(%dma_wait3A_328 : memref<13824xf32, #tpu.memory_space<vmem>>)
    %scan3A_330 = arith.constant 0 : i32
    %scan3A_331 = arith.constant 0 : i32
    %scan3A_332 = arith.constant 864 : i32
    %scan3A_333 = arith.addi %scan3A_331, %scan3A_332 : i32
    %scan3A_334 = arith.constant 1 : i32
    scf.for %scan3A_502 = %scan3A_331 to %scan3A_333 step %scan3A_334  : i32 {
      %mul3A_503 = arith.constant 16 : i32
      %mul3A_504 = arith.muli %scan3A_502, %mul3A_503 : i32
      %get3A = arith.constant 1 : i32
      %get3A_505 = arith.index_cast %get3A : i32 to index
      %get3A_506 = arith.index_cast %mul3A_504 : i32 to index
      %get3A_507 = tpu.vector_load %arg6[%get3A_505, %get3A_506] {strides = array<i32>} : memref<4x13824xf32, #tpu.memory_space<vmem>>, vector<1x16xf32>,
      %get3A_508 = vector.shape_cast %get3A_507 : vector<1x16xf32> to vector<16xf32>
      %get3A_509 = arith.index_cast %mul3A_504 : i32 to index
      %get3A_510 = tpu.vector_load %arg5[%get3A_509] {strides = array<i32>} : memref<13824xf32, #tpu.memory_space<vmem>>, vector<16xf32>,
      %get3A_511 = vector.shape_cast %get3A_510 : vector<16xf32> to vector<16xf32>
      %add3A_512 = arith.addf %get3A_508, %get3A_511 : vector<16xf32>
      %swap3A = arith.constant 1 : i32
      %swap3A_513 = arith.index_cast %swap3A : i32 to index
      %swap3A_514 = arith.index_cast %mul3A_504 : i32 to index
      %swap3A_515 = tpu.vector_load %arg6[%swap3A_513, %swap3A_514] {strides = array<i32>} : memref<4x13824xf32, #tpu.memory_space<vmem>>, vector<1x16xf32>,
      %swap3A_516 = vector.shape_cast %swap3A_515 : vector<1x16xf32> to vector<16xf32>
      %swap3A_517 = vector.shape_cast %add3A_512 : vector<16xf32> to vector<1x16xf32>
      tpu.vector_store %arg6[%swap3A_513, %swap3A_514], %swap3A_517 {strides = array<i32>} : memref<4x13824xf32, #tpu.memory_space<vmem>>, vector<1x16xf32>,
    }
    %scan3A_335 = arith.constant 864 : i32
    %add3A_336 = arith.constant 26984448 : i32
    %add3A_337 = arith.addi %add3A_336, %mul3A_2 : i32
    %dma_start3A_338 = arith.constant 1 : i32
    %dma_start3A_339 = arith.constant 1 : i32
    %dma_start3A_340 = arith.constant 0 : i32
    %dma_start3A_341 = tpu.memref_slice %arg6[%dma_start3A_338, %dma_start3A_340] : memref<4x13824xf32, #tpu.memory_space<vmem>> -> memref<1x13824xf32, #tpu.memory_space<vmem>>
    %dma_start3A_342 = tpu.memref_squeeze %dma_start3A_341 : memref<1x13824xf32, #tpu.memory_space<vmem>> -> memref<13824xf32, #tpu.memory_space<vmem>>
    %dma_start3A_343 = tpu.memref_slice %arg4[%add3A_337] : memref<28311552xf32, #tpu.memory_space<hbm>> -> memref<13824xf32, #tpu.memory_space<hbm>>
    %dma_start3A_344 = tpu.memref_slice %arg8[%dma_start3A_339] : memref<4x!tpu.dma_semaphore, #tpu.memory_space<semaphore_mem>> -> memref<1x!tpu.dma_semaphore, #tpu.memory_space<semaphore_mem>>
    %dma_start3A_345 = tpu.memref_squeeze %dma_start3A_344 : memref<1x!tpu.dma_semaphore, #tpu.memory_space<semaphore_mem>> -> memref<!tpu.dma_semaphore, #tpu.memory_space<semaphore_mem>>
    %dma_start3A_346 = tpu.memref_slice %arg4[%add3A_337] : memref<28311552xf32, #tpu.memory_space<hbm>> -> memref<13824xf32, #tpu.memory_space<hbm>>
    %dma_start3A_347 = arith.constant 0 : i32
    %dma_start3A_348 = tpu.memref_slice %arg6[%dma_start3A_338, %dma_start3A_347] : memref<4x13824xf32, #tpu.memory_space<vmem>> -> memref<1x13824xf32, #tpu.memory_space<vmem>>
    %dma_start3A_349 = tpu.memref_squeeze %dma_start3A_348 : memref<1x13824xf32, #tpu.memory_space<vmem>> -> memref<13824xf32, #tpu.memory_space<vmem>>
    tpu.enqueue_dma source(%dma_start3A_349 : memref<13824xf32, #tpu.memory_space<vmem>>) target(%dma_start3A_346 : memref<13824xf32, #tpu.memory_space<hbm>>) target_semaphore(%dma_start3A_345 : memref<!tpu.dma_semaphore, #tpu.memory_space<semaphore_mem>>)
    %add3A_350 = arith.constant 26099712 : i32
    %add3A_351 = arith.addi %add3A_350, %mul3A_2 : i32
    %dma_wait3A_352 = arith.constant 3 : i32
    %dma_wait3A_353 = arith.constant 3 : i32
    %dma_wait3A_354 = arith.constant 0 : i32
    %dma_wait3A_355 = tpu.memref_slice %arg6[%dma_wait3A_352, %dma_wait3A_354] : memref<4x13824xf32, #tpu.memory_space<vmem>> -> memref<1x13824xf32, #tpu.memory_space<vmem>>
    %dma_wait3A_356 = tpu.memref_squeeze %dma_wait3A_355 : memref<1x13824xf32, #tpu.memory_space<vmem>> -> memref<13824xf32, #tpu.memory_space<vmem>>
    %dma_wait3A_357 = tpu.memref_slice %arg4[%add3A_351] : memref<28311552xf32, #tpu.memory_space<hbm>> -> memref<13824xf32, #tpu.memory_space<hbm>>
    %dma_wait3A_358 = tpu.memref_slice %arg8[%dma_wait3A_353] : memref<4x!tpu.dma_semaphore, #tpu.memory_space<semaphore_mem>> -> memref<1x!tpu.dma_semaphore, #tpu.memory_space<semaphore_mem>>
    %dma_wait3A_359 = tpu.memref_squeeze %dma_wait3A_358 : memref<1x!tpu.dma_semaphore, #tpu.memory_space<semaphore_mem>> -> memref<!tpu.dma_semaphore, #tpu.memory_space<semaphore_mem>>
    %dma_wait3A_360 = tpu.memref_slice %arg4[%add3A_351] : memref<28311552xf32, #tpu.memory_space<hbm>> -> memref<13824xf32, #tpu.memory_space<hbm>>
    %dma_wait3A_361 = arith.constant 0 : i32
    %dma_wait3A_362 = tpu.memref_slice %arg6[%dma_wait3A_352, %dma_wait3A_361] : memref<4x13824xf32, #tpu.memory_space<vmem>> -> memref<1x13824xf32, #tpu.memory_space<vmem>>
    %dma_wait3A_363 = tpu.memref_squeeze %dma_wait3A_362 : memref<1x13824xf32, #tpu.memory_space<vmem>> -> memref<13824xf32, #tpu.memory_space<vmem>>
    tpu.wait_dma2 semaphore(%dma_wait3A_359 : memref<!tpu.dma_semaphore, #tpu.memory_space<semaphore_mem>>) src(%dma_wait3A_363 : memref<13824xf32, #tpu.memory_space<vmem>>) dst(%dma_wait3A_360 : memref<13824xf32, #tpu.memory_space<hbm>>)
    %add3A_364 = arith.constant 27869184 : i32
    %add3A_365 = arith.addi %add3A_364, %mul3A_2 : i32
    %dma_start3A_366 = arith.constant 3 : i32
    %dma_start3A_367 = arith.constant 3 : i32
    %dma_start3A_368 = arith.constant 0 : i32
    %dma_start3A_369 = tpu.memref_slice %arg6[%dma_start3A_366, %dma_start3A_368] : memref<4x13824xf32, #tpu.memory_space<vmem>> -> memref<1x13824xf32, #tpu.memory_space<vmem>>
    %dma_start3A_370 = tpu.memref_squeeze %dma_start3A_369 : memref<1x13824xf32, #tpu.memory_space<vmem>> -> memref<13824xf32, #tpu.memory_space<vmem>>
    %dma_start3A_371 = tpu.memref_slice %arg2[%add3A_365] : memref<28311552xf32, #tpu.memory_space<hbm>> -> memref<13824xf32, #tpu.memory_space<hbm>>
    %dma_start3A_372 = tpu.memref_slice %arg7[%dma_start3A_367] : memref<4x!tpu.dma_semaphore, #tpu.memory_space<semaphore_mem>> -> memref<1x!tpu.dma_semaphore, #tpu.memory_space<semaphore_mem>>
    %dma_start3A_373 = tpu.memref_squeeze %dma_start3A_372 : memref<1x!tpu.dma_semaphore, #tpu.memory_space<semaphore_mem>> -> memref<!tpu.dma_semaphore, #tpu.memory_space<semaphore_mem>>
    %dma_start3A_374 = arith.constant 0 : i32
    %dma_start3A_375 = tpu.memref_slice %arg6[%dma_start3A_366, %dma_start3A_374] : memref<4x13824xf32, #tpu.memory_space<vmem>> -> memref<1x13824xf32, #tpu.memory_space<vmem>>
    %dma_start3A_376 = tpu.memref_squeeze %dma_start3A_375 : memref<1x13824xf32, #tpu.memory_space<vmem>> -> memref<13824xf32, #tpu.memory_space<vmem>>
    %dma_start3A_377 = tpu.memref_slice %arg2[%add3A_365] : memref<28311552xf32, #tpu.memory_space<hbm>> -> memref<13824xf32, #tpu.memory_space<hbm>>
    tpu.enqueue_dma source(%dma_start3A_377 : memref<13824xf32, #tpu.memory_space<hbm>>) target(%dma_start3A_376 : memref<13824xf32, #tpu.memory_space<vmem>>) target_semaphore(%dma_start3A_373 : memref<!tpu.dma_semaphore, #tpu.memory_space<semaphore_mem>>)
    %add3A_378 = arith.constant 27426816 : i32
    %add3A_379 = arith.addi %add3A_378, %mul3A_2 : i32
    %dma_wait3A_380 = arith.constant 2 : i32
    %dma_wait3A_381 = arith.constant 2 : i32
    %dma_wait3A_382 = arith.constant 0 : i32
    %dma_wait3A_383 = tpu.memref_slice %arg6[%dma_wait3A_380, %dma_wait3A_382] : memref<4x13824xf32, #tpu.memory_space<vmem>> -> memref<1x13824xf32, #tpu.memory_space<vmem>>
    %dma_wait3A_384 = tpu.memref_squeeze %dma_wait3A_383 : memref<1x13824xf32, #tpu.memory_space<vmem>> -> memref<13824xf32, #tpu.memory_space<vmem>>
    %dma_wait3A_385 = tpu.memref_slice %arg2[%add3A_379] : memref<28311552xf32, #tpu.memory_space<hbm>> -> memref<13824xf32, #tpu.memory_space<hbm>>
    %dma_wait3A_386 = tpu.memref_slice %arg7[%dma_wait3A_381] : memref<4x!tpu.dma_semaphore, #tpu.memory_space<semaphore_mem>> -> memref<1x!tpu.dma_semaphore, #tpu.memory_space<semaphore_mem>>
    %dma_wait3A_387 = tpu.memref_squeeze %dma_wait3A_386 : memref<1x!tpu.dma_semaphore, #tpu.memory_space<semaphore_mem>> -> memref<!tpu.dma_semaphore, #tpu.memory_space<semaphore_mem>>
    %dma_wait3A_388 = arith.constant 0 : i32
    %dma_wait3A_389 = tpu.memref_slice %arg6[%dma_wait3A_380, %dma_wait3A_388] : memref<4x13824xf32, #tpu.memory_space<vmem>> -> memref<1x13824xf32, #tpu.memory_space<vmem>>
    %dma_wait3A_390 = tpu.memref_squeeze %dma_wait3A_389 : memref<1x13824xf32, #tpu.memory_space<vmem>> -> memref<13824xf32, #tpu.memory_space<vmem>>
    %dma_wait3A_391 = tpu.memref_slice %arg2[%add3A_379] : memref<28311552xf32, #tpu.memory_space<hbm>> -> memref<13824xf32, #tpu.memory_space<hbm>>
    tpu.wait_dma2 semaphore(%dma_wait3A_387 : memref<!tpu.dma_semaphore, #tpu.memory_space<semaphore_mem>>) src(%dma_wait3A_391 : memref<13824xf32, #tpu.memory_space<hbm>>) dst(%dma_wait3A_390 : memref<13824xf32, #tpu.memory_space<vmem>>)
    %scan3A_392 = arith.constant 0 : i32
    %scan3A_393 = arith.constant 0 : i32
    %scan3A_394 = arith.constant 864 : i32
    %scan3A_395 = arith.addi %scan3A_393, %scan3A_394 : i32
    %scan3A_396 = arith.constant 1 : i32
    scf.for %scan3A_502 = %scan3A_393 to %scan3A_395 step %scan3A_396  : i32 {
      %mul3A_503 = arith.constant 16 : i32
      %mul3A_504 = arith.muli %scan3A_502, %mul3A_503 : i32
      %get3A = arith.constant 2 : i32
      %get3A_505 = arith.index_cast %get3A : i32 to index
      %get3A_506 = arith.index_cast %mul3A_504 : i32 to index
      %get3A_507 = tpu.vector_load %arg6[%get3A_505, %get3A_506] {strides = array<i32>} : memref<4x13824xf32, #tpu.memory_space<vmem>>, vector<1x16xf32>,
      %get3A_508 = vector.shape_cast %get3A_507 : vector<1x16xf32> to vector<16xf32>
      %get3A_509 = arith.index_cast %mul3A_504 : i32 to index
      %get3A_510 = tpu.vector_load %arg5[%get3A_509] {strides = array<i32>} : memref<13824xf32, #tpu.memory_space<vmem>>, vector<16xf32>,
      %get3A_511 = vector.shape_cast %get3A_510 : vector<16xf32> to vector<16xf32>
      %add3A_512 = arith.addf %get3A_508, %get3A_511 : vector<16xf32>
      %swap3A = arith.constant 2 : i32
      %swap3A_513 = arith.index_cast %swap3A : i32 to index
      %swap3A_514 = arith.index_cast %mul3A_504 : i32 to index
      %swap3A_515 = tpu.vector_load %arg6[%swap3A_513, %swap3A_514] {strides = array<i32>} : memref<4x13824xf32, #tpu.memory_space<vmem>>, vector<1x16xf32>,
      %swap3A_516 = vector.shape_cast %swap3A_515 : vector<1x16xf32> to vector<16xf32>
      %swap3A_517 = vector.shape_cast %add3A_512 : vector<16xf32> to vector<1x16xf32>
      tpu.vector_store %arg6[%swap3A_513, %swap3A_514], %swap3A_517 {strides = array<i32>} : memref<4x13824xf32, #tpu.memory_space<vmem>>, vector<1x16xf32>,
    }
    %scan3A_397 = arith.constant 864 : i32
    %add3A_398 = arith.constant 27426816 : i32
    %add3A_399 = arith.addi %add3A_398, %mul3A_2 : i32
    %dma_start3A_400 = arith.constant 2 : i32
    %dma_start3A_401 = arith.constant 2 : i32
    %dma_start3A_402 = arith.constant 0 : i32
    %dma_start3A_403 = tpu.memref_slice %arg6[%dma_start3A_400, %dma_start3A_402] : memref<4x13824xf32, #tpu.memory_space<vmem>> -> memref<1x13824xf32, #tpu.memory_space<vmem>>
    %dma_start3A_404 = tpu.memref_squeeze %dma_start3A_403 : memref<1x13824xf32, #tpu.memory_space<vmem>> -> memref<13824xf32, #tpu.memory_space<vmem>>
    %dma_start3A_405 = tpu.memref_slice %arg4[%add3A_399] : memref<28311552xf32, #tpu.memory_space<hbm>> -> memref<13824xf32, #tpu.memory_space<hbm>>
    %dma_start3A_406 = tpu.memref_slice %arg8[%dma_start3A_401] : memref<4x!tpu.dma_semaphore, #tpu.memory_space<semaphore_mem>> -> memref<1x!tpu.dma_semaphore, #tpu.memory_space<semaphore_mem>>
    %dma_start3A_407 = tpu.memref_squeeze %dma_start3A_406 : memref<1x!tpu.dma_semaphore, #tpu.memory_space<semaphore_mem>> -> memref<!tpu.dma_semaphore, #tpu.memory_space<semaphore_mem>>
    %dma_start3A_408 = tpu.memref_slice %arg4[%add3A_399] : memref<28311552xf32, #tpu.memory_space<hbm>> -> memref<13824xf32, #tpu.memory_space<hbm>>
    %dma_start3A_409 = arith.constant 0 : i32
    %dma_start3A_410 = tpu.memref_slice %arg6[%dma_start3A_400, %dma_start3A_409] : memref<4x13824xf32, #tpu.memory_space<vmem>> -> memref<1x13824xf32, #tpu.memory_space<vmem>>
    %dma_start3A_411 = tpu.memref_squeeze %dma_start3A_410 : memref<1x13824xf32, #tpu.memory_space<vmem>> -> memref<13824xf32, #tpu.memory_space<vmem>>
    tpu.enqueue_dma source(%dma_start3A_411 : memref<13824xf32, #tpu.memory_space<vmem>>) target(%dma_start3A_408 : memref<13824xf32, #tpu.memory_space<hbm>>) target_semaphore(%dma_start3A_407 : memref<!tpu.dma_semaphore, #tpu.memory_space<semaphore_mem>>)
    %add3A_412 = arith.constant 27869184 : i32
    %add3A_413 = arith.addi %add3A_412, %mul3A_2 : i32
    %dma_wait3A_414 = arith.constant 3 : i32
    %dma_wait3A_415 = arith.constant 3 : i32
    %dma_wait3A_416 = arith.constant 0 : i32
    %dma_wait3A_417 = tpu.memref_slice %arg6[%dma_wait3A_414, %dma_wait3A_416] : memref<4x13824xf32, #tpu.memory_space<vmem>> -> memref<1x13824xf32, #tpu.memory_space<vmem>>
    %dma_wait3A_418 = tpu.memref_squeeze %dma_wait3A_417 : memref<1x13824xf32, #tpu.memory_space<vmem>> -> memref<13824xf32, #tpu.memory_space<vmem>>
    %dma_wait3A_419 = tpu.memref_slice %arg2[%add3A_413] : memref<28311552xf32, #tpu.memory_space<hbm>> -> memref<13824xf32, #tpu.memory_space<hbm>>
    %dma_wait3A_420 = tpu.memref_slice %arg7[%dma_wait3A_415] : memref<4x!tpu.dma_semaphore, #tpu.memory_space<semaphore_mem>> -> memref<1x!tpu.dma_semaphore, #tpu.memory_space<semaphore_mem>>
    %dma_wait3A_421 = tpu.memref_squeeze %dma_wait3A_420 : memref<1x!tpu.dma_semaphore, #tpu.memory_space<semaphore_mem>> -> memref<!tpu.dma_semaphore, #tpu.memory_space<semaphore_mem>>
    %dma_wait3A_422 = arith.constant 0 : i32
    %dma_wait3A_423 = tpu.memref_slice %arg6[%dma_wait3A_414, %dma_wait3A_422] : memref<4x13824xf32, #tpu.memory_space<vmem>> -> memref<1x13824xf32, #tpu.memory_space<vmem>>
    %dma_wait3A_424 = tpu.memref_squeeze %dma_wait3A_423 : memref<1x13824xf32, #tpu.memory_space<vmem>> -> memref<13824xf32, #tpu.memory_space<vmem>>
    %dma_wait3A_425 = tpu.memref_slice %arg2[%add3A_413] : memref<28311552xf32, #tpu.memory_space<hbm>> -> memref<13824xf32, #tpu.memory_space<hbm>>
    tpu.wait_dma2 semaphore(%dma_wait3A_421 : memref<!tpu.dma_semaphore, #tpu.memory_space<semaphore_mem>>) src(%dma_wait3A_425 : memref<13824xf32, #tpu.memory_space<hbm>>) dst(%dma_wait3A_424 : memref<13824xf32, #tpu.memory_space<vmem>>)
    %scan3A_426 = arith.constant 0 : i32
    %scan3A_427 = arith.constant 0 : i32
    %scan3A_428 = arith.constant 864 : i32
    %scan3A_429 = arith.addi %scan3A_427, %scan3A_428 : i32
    %scan3A_430 = arith.constant 1 : i32
    scf.for %scan3A_502 = %scan3A_427 to %scan3A_429 step %scan3A_430  : i32 {
      %mul3A_503 = arith.constant 16 : i32
      %mul3A_504 = arith.muli %scan3A_502, %mul3A_503 : i32
      %get3A = arith.constant 3 : i32
      %get3A_505 = arith.index_cast %get3A : i32 to index
      %get3A_506 = arith.index_cast %mul3A_504 : i32 to index
      %get3A_507 = tpu.vector_load %arg6[%get3A_505, %get3A_506] {strides = array<i32>} : memref<4x13824xf32, #tpu.memory_space<vmem>>, vector<1x16xf32>,
      %get3A_508 = vector.shape_cast %get3A_507 : vector<1x16xf32> to vector<16xf32>
      %get3A_509 = arith.index_cast %mul3A_504 : i32 to index
      %get3A_510 = tpu.vector_load %arg5[%get3A_509] {strides = array<i32>} : memref<13824xf32, #tpu.memory_space<vmem>>, vector<16xf32>,
      %get3A_511 = vector.shape_cast %get3A_510 : vector<16xf32> to vector<16xf32>
      %add3A_512 = arith.addf %get3A_508, %get3A_511 : vector<16xf32>
      %swap3A = arith.constant 3 : i32
      %swap3A_513 = arith.index_cast %swap3A : i32 to index
      %swap3A_514 = arith.index_cast %mul3A_504 : i32 to index
      %swap3A_515 = tpu.vector_load %arg6[%swap3A_513, %swap3A_514] {strides = array<i32>} : memref<4x13824xf32, #tpu.memory_space<vmem>>, vector<1x16xf32>,
      %swap3A_516 = vector.shape_cast %swap3A_515 : vector<1x16xf32> to vector<16xf32>
      %swap3A_517 = vector.shape_cast %add3A_512 : vector<16xf32> to vector<1x16xf32>
      tpu.vector_store %arg6[%swap3A_513, %swap3A_514], %swap3A_517 {strides = array<i32>} : memref<4x13824xf32, #tpu.memory_space<vmem>>, vector<1x16xf32>,
    }
    %scan3A_431 = arith.constant 864 : i32
    %add3A_432 = arith.constant 27869184 : i32
    %add3A_433 = arith.addi %add3A_432, %mul3A_2 : i32
    %dma_start3A_434 = arith.constant 3 : i32
    %dma_start3A_435 = arith.constant 3 : i32
    %dma_start3A_436 = arith.constant 0 : i32
    %dma_start3A_437 = tpu.memref_slice %arg6[%dma_start3A_434, %dma_start3A_436] : memref<4x13824xf32, #tpu.memory_space<vmem>> -> memref<1x13824xf32, #tpu.memory_space<vmem>>
    %dma_start3A_438 = tpu.memref_squeeze %dma_start3A_437 : memref<1x13824xf32, #tpu.memory_space<vmem>> -> memref<13824xf32, #tpu.memory_space<vmem>>
    %dma_start3A_439 = tpu.memref_slice %arg4[%add3A_433] : memref<28311552xf32, #tpu.memory_space<hbm>> -> memref<13824xf32, #tpu.memory_space<hbm>>
    %dma_start3A_440 = tpu.memref_slice %arg8[%dma_start3A_435] : memref<4x!tpu.dma_semaphore, #tpu.memory_space<semaphore_mem>> -> memref<1x!tpu.dma_semaphore, #tpu.memory_space<semaphore_mem>>
    %dma_start3A_441 = tpu.memref_squeeze %dma_start3A_440 : memref<1x!tpu.dma_semaphore, #tpu.memory_space<semaphore_mem>> -> memref<!tpu.dma_semaphore, #tpu.memory_space<semaphore_mem>>
    %dma_start3A_442 = tpu.memref_slice %arg4[%add3A_433] : memref<28311552xf32, #tpu.memory_space<hbm>> -> memref<13824xf32, #tpu.memory_space<hbm>>
    %dma_start3A_443 = arith.constant 0 : i32
    %dma_start3A_444 = tpu.memref_slice %arg6[%dma_start3A_434, %dma_start3A_443] : memref<4x13824xf32, #tpu.memory_space<vmem>> -> memref<1x13824xf32, #tpu.memory_space<vmem>>
    %dma_start3A_445 = tpu.memref_squeeze %dma_start3A_444 : memref<1x13824xf32, #tpu.memory_space<vmem>> -> memref<13824xf32, #tpu.memory_space<vmem>>
    tpu.enqueue_dma source(%dma_start3A_445 : memref<13824xf32, #tpu.memory_space<vmem>>) target(%dma_start3A_442 : memref<13824xf32, #tpu.memory_space<hbm>>) target_semaphore(%dma_start3A_441 : memref<!tpu.dma_semaphore, #tpu.memory_space<semaphore_mem>>)
    %add3A_446 = arith.constant 26542080 : i32
    %add3A_447 = arith.addi %add3A_446, %mul3A_2 : i32
    %dma_wait3A_448 = arith.constant 0 : i32
    %dma_wait3A_449 = arith.constant 0 : i32
    %dma_wait3A_450 = arith.constant 0 : i32
    %dma_wait3A_451 = tpu.memref_slice %arg6[%dma_wait3A_448, %dma_wait3A_450] : memref<4x13824xf32, #tpu.memory_space<vmem>> -> memref<1x13824xf32, #tpu.memory_space<vmem>>
    %dma_wait3A_452 = tpu.memref_squeeze %dma_wait3A_451 : memref<1x13824xf32, #tpu.memory_space<vmem>> -> memref<13824xf32, #tpu.memory_space<vmem>>
    %dma_wait3A_453 = tpu.memref_slice %arg4[%add3A_447] : memref<28311552xf32, #tpu.memory_space<hbm>> -> memref<13824xf32, #tpu.memory_space<hbm>>
    %dma_wait3A_454 = tpu.memref_slice %arg8[%dma_wait3A_449] : memref<4x!tpu.dma_semaphore, #tpu.memory_space<semaphore_mem>> -> memref<1x!tpu.dma_semaphore, #tpu.memory_space<semaphore_mem>>
    %dma_wait3A_455 = tpu.memref_squeeze %dma_wait3A_454 : memref<1x!tpu.dma_semaphore, #tpu.memory_space<semaphore_mem>> -> memref<!tpu.dma_semaphore, #tpu.memory_space<semaphore_mem>>
    %dma_wait3A_456 = tpu.memref_slice %arg4[%add3A_447] : memref<28311552xf32, #tpu.memory_space<hbm>> -> memref<13824xf32, #tpu.memory_space<hbm>>
    %dma_wait3A_457 = arith.constant 0 : i32
    %dma_wait3A_458 = tpu.memref_slice %arg6[%dma_wait3A_448, %dma_wait3A_457] : memref<4x13824xf32, #tpu.memory_space<vmem>> -> memref<1x13824xf32, #tpu.memory_space<vmem>>
    %dma_wait3A_459 = tpu.memref_squeeze %dma_wait3A_458 : memref<1x13824xf32, #tpu.memory_space<vmem>> -> memref<13824xf32, #tpu.memory_space<vmem>>
    tpu.wait_dma2 semaphore(%dma_wait3A_455 : memref<!tpu.dma_semaphore, #tpu.memory_space<semaphore_mem>>) src(%dma_wait3A_459 : memref<13824xf32, #tpu.memory_space<vmem>>) dst(%dma_wait3A_456 : memref<13824xf32, #tpu.memory_space<hbm>>)
    %add3A_460 = arith.constant 26984448 : i32
    %add3A_461 = arith.addi %add3A_460, %mul3A_2 : i32
    %dma_wait3A_462 = arith.constant 1 : i32
    %dma_wait3A_463 = arith.constant 1 : i32
    %dma_wait3A_464 = arith.constant 0 : i32
    %dma_wait3A_465 = tpu.memref_slice %arg6[%dma_wait3A_462, %dma_wait3A_464] : memref<4x13824xf32, #tpu.memory_space<vmem>> -> memref<1x13824xf32, #tpu.memory_space<vmem>>
    %dma_wait3A_466 = tpu.memref_squeeze %dma_wait3A_465 : memref<1x13824xf32, #tpu.memory_space<vmem>> -> memref<13824xf32, #tpu.memory_space<vmem>>
    %dma_wait3A_467 = tpu.memref_slice %arg4[%add3A_461] : memref<28311552xf32, #tpu.memory_space<hbm>> -> memref<13824xf32, #tpu.memory_space<hbm>>
    %dma_wait3A_468 = tpu.memref_slice %arg8[%dma_wait3A_463] : memref<4x!tpu.dma_semaphore, #tpu.memory_space<semaphore_mem>> -> memref<1x!tpu.dma_semaphore, #tpu.memory_space<semaphore_mem>>
    %dma_wait3A_469 = tpu.memref_squeeze %dma_wait3A_468 : memref<1x!tpu.dma_semaphore, #tpu.memory_space<semaphore_mem>> -> memref<!tpu.dma_semaphore, #tpu.memory_space<semaphore_mem>>
    %dma_wait3A_470 = tpu.memref_slice %arg4[%add3A_461] : memref<28311552xf32, #tpu.memory_space<hbm>> -> memref<13824xf32, #tpu.memory_space<hbm>>
    %dma_wait3A_471 = arith.constant 0 : i32
    %dma_wait3A_472 = tpu.memref_slice %arg6[%dma_wait3A_462, %dma_wait3A_471] : memref<4x13824xf32, #tpu.memory_space<vmem>> -> memref<1x13824xf32, #tpu.memory_space<vmem>>
    %dma_wait3A_473 = tpu.memref_squeeze %dma_wait3A_472 : memref<1x13824xf32, #tpu.memory_space<vmem>> -> memref<13824xf32, #tpu.memory_space<vmem>>
    tpu.wait_dma2 semaphore(%dma_wait3A_469 : memref<!tpu.dma_semaphore, #tpu.memory_space<semaphore_mem>>) src(%dma_wait3A_473 : memref<13824xf32, #tpu.memory_space<vmem>>) dst(%dma_wait3A_470 : memref<13824xf32, #tpu.memory_space<hbm>>)
    %add3A_474 = arith.constant 27426816 : i32
    %add3A_475 = arith.addi %add3A_474, %mul3A_2 : i32
    %dma_wait3A_476 = arith.constant 2 : i32
    %dma_wait3A_477 = arith.constant 2 : i32
    %dma_wait3A_478 = arith.constant 0 : i32
    %dma_wait3A_479 = tpu.memref_slice %arg6[%dma_wait3A_476, %dma_wait3A_478] : memref<4x13824xf32, #tpu.memory_space<vmem>> -> memref<1x13824xf32, #tpu.memory_space<vmem>>
    %dma_wait3A_480 = tpu.memref_squeeze %dma_wait3A_479 : memref<1x13824xf32, #tpu.memory_space<vmem>> -> memref<13824xf32, #tpu.memory_space<vmem>>
    %dma_wait3A_481 = tpu.memref_slice %arg4[%add3A_475] : memref<28311552xf32, #tpu.memory_space<hbm>> -> memref<13824xf32, #tpu.memory_space<hbm>>
    %dma_wait3A_482 = tpu.memref_slice %arg8[%dma_wait3A_477] : memref<4x!tpu.dma_semaphore, #tpu.memory_space<semaphore_mem>> -> memref<1x!tpu.dma_semaphore, #tpu.memory_space<semaphore_mem>>
    %dma_wait3A_483 = tpu.memref_squeeze %dma_wait3A_482 : memref<1x!tpu.dma_semaphore, #tpu.memory_space<semaphore_mem>> -> memref<!tpu.dma_semaphore, #tpu.memory_space<semaphore_mem>>
    %dma_wait3A_484 = tpu.memref_slice %arg4[%add3A_475] : memref<28311552xf32, #tpu.memory_space<hbm>> -> memref<13824xf32, #tpu.memory_space<hbm>>
    %dma_wait3A_485 = arith.constant 0 : i32
    %dma_wait3A_486 = tpu.memref_slice %arg6[%dma_wait3A_476, %dma_wait3A_485] : memref<4x13824xf32, #tpu.memory_space<vmem>> -> memref<1x13824xf32, #tpu.memory_space<vmem>>
    %dma_wait3A_487 = tpu.memref_squeeze %dma_wait3A_486 : memref<1x13824xf32, #tpu.memory_space<vmem>> -> memref<13824xf32, #tpu.memory_space<vmem>>
    tpu.wait_dma2 semaphore(%dma_wait3A_483 : memref<!tpu.dma_semaphore, #tpu.memory_space<semaphore_mem>>) src(%dma_wait3A_487 : memref<13824xf32, #tpu.memory_space<vmem>>) dst(%dma_wait3A_484 : memref<13824xf32, #tpu.memory_space<hbm>>)
    %add3A_488 = arith.constant 27869184 : i32
    %add3A_489 = arith.addi %add3A_488, %mul3A_2 : i32
    %dma_wait3A_490 = arith.constant 3 : i32
    %dma_wait3A_491 = arith.constant 3 : i32
    %dma_wait3A_492 = arith.constant 0 : i32
    %dma_wait3A_493 = tpu.memref_slice %arg6[%dma_wait3A_490, %dma_wait3A_492] : memref<4x13824xf32, #tpu.memory_space<vmem>> -> memref<1x13824xf32, #tpu.memory_space<vmem>>
    %dma_wait3A_494 = tpu.memref_squeeze %dma_wait3A_493 : memref<1x13824xf32, #tpu.memory_space<vmem>> -> memref<13824xf32, #tpu.memory_space<vmem>>
    %dma_wait3A_495 = tpu.memref_slice %arg4[%add3A_489] : memref<28311552xf32, #tpu.memory_space<hbm>> -> memref<13824xf32, #tpu.memory_space<hbm>>
    %dma_wait3A_496 = tpu.memref_slice %arg8[%dma_wait3A_491] : memref<4x!tpu.dma_semaphore, #tpu.memory_space<semaphore_mem>> -> memref<1x!tpu.dma_semaphore, #tpu.memory_space<semaphore_mem>>
    %dma_wait3A_497 = tpu.memref_squeeze %dma_wait3A_496 : memref<1x!tpu.dma_semaphore, #tpu.memory_space<semaphore_mem>> -> memref<!tpu.dma_semaphore, #tpu.memory_space<semaphore_mem>>
    %dma_wait3A_498 = tpu.memref_slice %arg4[%add3A_489] : memref<28311552xf32, #tpu.memory_space<hbm>> -> memref<13824xf32, #tpu.memory_space<hbm>>
    %dma_wait3A_499 = arith.constant 0 : i32
    %dma_wait3A_500 = tpu.memref_slice %arg6[%dma_wait3A_490, %dma_wait3A_499] : memref<4x13824xf32, #tpu.memory_space<vmem>> -> memref<1x13824xf32, #tpu.memory_space<vmem>>
    %dma_wait3A_501 = tpu.memref_squeeze %dma_wait3A_500 : memref<1x13824xf32, #tpu.memory_space<vmem>> -> memref<13824xf32, #tpu.memory_space<vmem>>
    tpu.wait_dma2 semaphore(%dma_wait3A_497 : memref<!tpu.dma_semaphore, #tpu.memory_space<semaphore_mem>>) src(%dma_wait3A_501 : memref<13824xf32, #tpu.memory_space<vmem>>) dst(%dma_wait3A_498 : memref<13824xf32, #tpu.memory_space<hbm>>)
    return
  }
}

</mosaic_0001>

<sc_bundles>
// kernel: kernel.3.cloned.1.call-start
scs
__scs_entry_jumppad:
0x0: {  	(pc) =	sbr.rel $0x88, $3  }
0x1: {  	(tag) =	ssettag $0x0;
	lr =	simm.s32 $0x1  }
0x2: {  	[smem:$0x3F9F] =	sst lr;
	_ =	strace $0xD0000000  }
0x3: {  	_ = 	snop  }
0x4: {  	_ = 	snop  }
0x5: {  	_ = 	snop  }
0x6: {  	_ = 	snop  }
0x7: {  	_ = 	snop  }
__scs_overlays_trampoline_lowered:
0x8: {  	[smem:$0x3FAE] =	sst s0  }
0x9: {  	[smem:$0x3FAF] =	sst s1  }
0xa: {  	[smem:$0x3FB0] =	sst s2  }
0xb: {  	[smem:$0x3FB1] =	sst s3  }
0xc: {  	[smem:$0x3FB2] =	sst s4  }
0xd: {  	[smem:$0x3FB3] =	sst s5  }
0xe: {  	[smem:$0x3FB4] =	sst s6  }
0xf: {  	[smem:$0x3FB5] =	sst s7  }
0x10: {  	[smem:$0x3FB6] =	sst s8  }
0x11: {  	[smem:$0x3FB7] =	sst s9;
	s0 =	simm.s32 @!p0 $0x0  }
0x12: {  	s1 =	sld [smem:$0x3F9D];
	s0 =	simm.s32 @p0 $0x1  }
0x13: {  	[smem:$0x3FB8] =	sst s0;
	s0 =	simm.s32 @!p1 $0x0  }
0x14: {  	s2 =	sld [smem:$0x3F9C];
	s0 =	simm.s32 @p1 $0x1  }
0x15: {  	[smem:$0x3FB9] =	sst s0;
	s0 =	simm.s32 @!p2 $0x0  }
0x16: {  	s3 =	sld [smem:$0x3FDB];
	s0 =	simm.s32 @p2 $0x1  }
0x17: {  	s4 =	simm.s32 $0x1BF5;
	[smem:$0x3FBB] =	sst s0  }
0x18: {  	s0 =	sld [smem:$0x3F9E];
	_ =	swait.ge [sflag:s4], $0x0  }
0x19: {  	s7 =	sld [smem:$0x3F9F]  }
0x1a: {  	s8 =	sadd.s32 $0xFFFFE003, lr  }
0x1b: {  	s9 =	sadd.s32 $0xFFFFFEF7, lr;
	s5 =	simm.s32 $0xFFFFFFFF;
	p2 =	slt.u32 s8, $0xFFFFF086  }
0x1c: {  	p1 =	slt.u32 s9, $0xF7A;
	s5 =	simm.s32 @!p2 $0x0  }
0x1d: {  	s5 =	simm.s32 @p1 $0x1;
	p0 =	seq.s32 s7, s2  }
0x1e: {  	s7 =	smul.u32 @!p0 $0xF7A, s2;
	p2 =	seq.s32 @!p0 s5, $0x0  }
0x1f: {  	s9 =	smul.u32 $0xF7A, s1;
	s8 =	simm.s32 @!p0 $0x1BF5;
	p2 =	por !p2, p0  }
0x20: {  	[sflag:s8] =	ssyncset.s32 @!p0 $0xFFFFF086;
	s6 =	sadd.s32 @!p0 s3, s7;
	s7 =	simm.s32 @!p0 $0x108  }
0x21: {  	s3 =	sadd.s32 s3, s9;
	s6 =	sadd.s32 @!p0 $0x88, s6;
	s7 =	simm.s32 @p2 $0x1082  }
0x22: {  	[simem:s7], [sflag:s8] =	dma.local @!p0 [hbm:s6], $0xF7A  }
0x23: {  	s9 =	sor.u32 $0xD0000000, s2;
	s6 =	simm.s32 $0x108;
	_ =	swait.ge @!p0 [sflag:s8], $0x0  }
0x24: {  	s3 =	sadd.s32 $0x88, s3;
	s6 =	simm.s32 @!p1 $0x1082;
	[sflag:s4] =	ssyncset.s32 $0xFFFFF086  }
0x25: {  	[simem:s6], [sflag:s4] =	dma.local [hbm:s3], $0xF7A  }
0x26: {  	[smem:$0x3F9F] =	sst s1;
	(tag) =	ssettag s2;
	_ =	strace s9  }
0x27: {  	s1 =	sld [smem:$0x3FAF]  }
0x28: {  	s2 =	sld [smem:$0x3FB0]  }
0x29: {  	s4 =	sld [smem:$0x3FB2]  }
0x2a: {  	p0 =	seq.s32 s5, $0x0;
	s5 =	sld [smem:$0x3FB3]  }
0x2b: {  	s6 =	sld [smem:$0x3FB4]  }
0x2c: {  	s7 =	sld [smem:$0x3FB5]  }
0x2d: {  	s3 =	simm.s32 $0x108;
	s8 =	sld [smem:$0x3FB6]  }
0x2e: {  	s3 =	simm.s32 @!p0 $0x1082;
	s9 =	sld [smem:$0x3FB7]  }
0x2f: {  	lr =	sadd.s32 s0, s3;
	s0 =	sld [smem:$0x3FAE]  }
0x30: {  	s3 =	sld [smem:$0x3FB1]  }
0x31: {  	[smem:$0x3FBA] =	sst s10  }
0x32: {  	s10 =	sld [smem:$0x3FB8];
	_ =	sdelay $0x3  }
0x33: {  	p0 =	seq.s32 s10, $0x1;
	s10 =	sld [smem:$0x3FBA];
	_ =	sdelay $0x3  }
0x34: {  	[smem:$0x3FBA] =	sst s10  }
0x35: {  	s10 =	sld [smem:$0x3FB9];
	_ =	sdelay $0x3  }
0x36: {  	p1 =	seq.s32 s10, $0x1;
	s10 =	sld [smem:$0x3FBA];
	_ =	sdelay $0x3  }
0x37: {  	[smem:$0x3FBA] =	sst s10  }
0x38: {  	s10 =	sld [smem:$0x3FBB]  }
0x39: {  	_ = 	snop;
	(pc) =	sbr.ind lr, $3  }
0x3a: {  	_ = 	snop  }
0x3b: {  	_ = 	snop  }
0x3c: {  	p2 =	seq.s32 s10, $0x1;
	s10 =	sld [smem:$0x3FBA]  }
0x3d: {  	_ =	shalt  }
0x3e: {  	_ =	shalt  }
0x3f: {  	_ =	shalt  }
0x40: {  	_ =	shalt  }
0x41: {  	_ =	shalt  }
0x42: {  	_ =	shalt  }
0x43: {  	_ =	shalt  }
0x44: {  	_ =	shalt  }
0x45: {  	_ =	shalt  }
0x46: {  	_ =	shalt  }
0x47: {  	_ =	shalt  }
0x48: {  	_ =	shalt  }
0x49: {  	_ =	shalt  }
0x4a: {  	_ =	shalt  }
0x4b: {  	_ =	shalt  }
0x4c: {  	_ =	shalt  }
0x4d: {  	_ =	shalt  }
0x4e: {  	_ =	shalt  }
0x4f: {  	_ =	shalt  }
0x50: {  	_ =	shalt  }
0x51: {  	_ =	shalt  }
0x52: {  	_ =	shalt  }
0x53: {  	_ =	shalt  }
0x54: {  	_ =	shalt  }
0x55: {  	_ =	shalt  }
0x56: {  	_ =	shalt  }
0x57: {  	_ =	shalt  }
0x58: {  	_ =	shalt  }
0x59: {  	_ =	shalt  }
0x5a: {  	_ =	shalt  }
0x5b: {  	_ =	shalt  }
0x5c: {  	_ =	shalt  }
0x5d: {  	_ =	shalt  }
0x5e: {  	_ =	shalt  }
0x5f: {  	_ =	shalt  }
0x60: {  	_ =	shalt  }
0x61: {  	_ =	shalt  }
0x62: {  	_ =	shalt  }
0x63: {  	_ =	shalt  }
0x64: {  	_ =	shalt  }
0x65: {  	_ =	shalt  }
0x66: {  	_ =	shalt  }
0x67: {  	_ =	shalt  }
0x68: {  	_ =	shalt  }
0x69: {  	_ =	shalt  }
0x6a: {  	_ =	shalt  }
0x6b: {  	_ =	shalt  }
0x6c: {  	_ =	shalt  }
0x6d: {  	_ =	shalt  }
0x6e: {  	_ =	shalt  }
0x6f: {  	_ =	shalt  }
0x70: {  	_ =	shalt  }
0x71: {  	_ =	shalt  }
0x72: {  	_ =	shalt  }
0x73: {  	_ =	shalt  }
0x74: {  	_ =	shalt  }
0x75: {  	_ =	shalt  }
0x76: {  	_ =	shalt  }
0x77: {  	_ =	shalt  }
0x78: {  	_ =	shalt  }
0x79: {  	_ =	shalt  }
0x7a: {  	_ =	shalt  }
0x7b: {  	_ =	shalt  }
0x7c: {  	_ =	shalt  }
0x7d: {  	_ =	shalt  }
0x7e: {  	_ =	shalt  }
0x7f: {  	_ =	shalt  }
0x80: {  	_ =	shalt  }
0x81: {  	_ =	shalt  }
0x82: {  	_ =	shalt  }
0x83: {  	_ =	shalt  }
0x84: {  	_ =	shalt  }
0x85: {  	_ =	shalt  }
0x86: {  	_ =	shalt  }
0x87: {  	_ =	shalt  }
.Lfunc_end0:
.L_simem_size_0:
called_computation_lowered:
.L_overlay_start_0:
0x88: {  	s2 =	sld [smem:$0x3FD9]  }
0x89: {  	s3 =	sld [smem:$0x3FFE];
	_ =	sdelay $0x1  }
0x8a: {  	s1 =	srdreg.scid  }
0x8b: {  	s0 =	sand.u32 $0x1, s1  }
0x8c: {  	s17 =	sshll.u32 s0, $0xA;
	s2 =	sadd.s32 s3, s2  }
0x8d: {  	s2 =	sadd.s32 s2, s17  }
0x8e: {  	[smem:$0x3FC6] =	sst s2  }
0x8f: {  	_ = 	snop  }
0x90: {  	s2 =	sld [smem:$0x3FD0];
	(tm) =	ssettm $0x1  }
0x91: {  	s18 =	sld [smem:$0x3FFB];
	_ =	sdelay $0x3  }
0x92: {  	_ =	strace s18  }
0x93: {  	s3 =	sld [smem:$0x3FFC];
	_ =	sdelay $0x3  }
0x94: {  	_ =	strace s3  }
0x95: {  	s3 =	sld [smem:$0x3FFD];
	_ =	sdelay $0x3  }
0x96: {  	_ =	strace s3  }
0x97: {  	_ =	strace $0x8FFFFFFF  }
0x98: {  	s19 =	sld [smem:$0x3FDB];
	_ =	sdelay $0x1  }
0x99: {  	s4 =	simm.s32 $_scs_section_size  }
0x9a: {  	s5 =	simm.s32 $_size__tile_overlayer_lowered;
	s6 =	simm.s32 $_tile_overlayer_lowered  }
0x9b: {  	s22 =	simm.s32 $0x1BFF;
	s21 =	sshll.u32 s6, $0x1;
	s3 =	sadd.s32 s4, s19  }
0x9c: {  	s7 =	simm.s32 $0x0;
	s20 =	sshll.u32 s5, $0x1;
	s5 =	sadd.s32 s21, s3  }
0x9d: {  	[timem:s7], [sflag:s22] =	dma.local [hbm:s5], s20  }
0x9e: {  	_ =	swait.ge [sflag:s22], s20  }
0x9f: {  	s4 =	ssub.s32 $0x0, s20;
	[sflag:s22] =	ssyncset.done $0x0  }
0xa0: {  	[sflag:s22] =	ssyncadd.s32 s4;
	_ =	sdelay $0x1  }
0xa1: {  	s23 =	simm.s32 $0x1B8B  }
0xa2: {  	_ =	swait.ge [sflag:s23], $0x1  }
0xa3: {  	[sflag:s23] =	ssyncset.done $0x0  }
0xa4: {  	s25 =	simm.s32 $0x1B8E;
	s24 =	sld [smem:$0x3FFE];
	[sflag:s23] =	ssyncadd.s32 $0xFFFFFFFF  }
0xa5: {  	s26 =	simm.s32 $execute0_lowered;
	[smem:$0x3FD2] =	sst s25  }
0xa6: {  	s5 =	sshll.u32 s26, $0x1;
	_ =	strace $0x80000046;
	[dreg:$0x1] =	wrdreg $0xFFFFFFFF  }
0xa7: {  	s28 =	simm.s32 $_size_execute0_lowered;
	s3 =	sadd.s32 s3, s5;
	[dreg:$0x0] =	wrdreg $0x0  }
0xa8: {  	s5 =	sshll.u32 s28, $0x1;
	[dreg:$0x2] =	wrdreg s3  }
0xa9: {  	[dreg:$0x3] =	wrdreg s5  }
0xaa: {  	[dreg:$0x4] =	wrdreg $0xC0  }
0xab: {  	_ =	task [dreg:s7], $0x5FFFF  }
0xac: {  	[dreg:$0x1] =	wrdreg $0xFFFFFFFF  }
0xad: {  	[dreg:$0x0] =	wrdreg $0x60  }
0xae: {  	[dreg:$0x2] =	wrdreg s2  }
0xaf: {  	[dreg:$0x3] =	wrdreg s24  }
0xb0: {  	[dreg:$0x4] =	wrdreg $0x9  }
0xb1: {  	_ =	task.clear_ibuf [dreg:s7], $0x5FFFF;
	_ =	strace $0x90000046  }
0xb2: {  	s29 =	simm.s32 $0x9;
	_ =	strace $0x80000048  }
0xb3: {  	_ =	swait.ge [sflag:s29], $0x1  }
0xb4: {  	[sflag:s29] =	ssyncadd.s32 $0xFFFFFFFF  }
0xb5: {  	_ =	strace $0x90000048  }
0xb6: {  	_ =	sfence  }
0xb7: {  	s30 =	sld [smem:$0x0];
	_ =	sdelay $0x2  }
0xb8: {  	s31 =	sshll.u32 s1, $0xD;
	s1 =	sshrl.u32 s1, $0x2  }
0xb9: {  	s3 =	sand.u32 $0x4000, s31;
	s1 =	sadd.s32 s1, s30  }
0xba: {  	s0 =	sor.u32 s3, s0;
	s1 =	sshll.u32 s1, $0x11  }
0xbb: {  	s0 =	sor.u32 s1, s0  }
0xbc: {  	s0 =	sadd.s32 $0x8F2B, s0  }
0xbd: {  	[sflag:s0] =	ssyncadd.remote.s32 $0x1  }
0xbe: {  	_ =	sfence.sel $0xFFFF  }
0xbf: {  	[dreg:$0x0] =	wrdreg $0xFFFFFFFF;
	(pc) =	sbr.abs _section_cstart, $3  }
0xc0: {  	[dreg:$0x1] =	wrdreg $0xFFFFFFFF  }
0xc1: {  	_ =	task.clear_ibuf [dreg:s7], $0x2FFFF;
	_ =	strace $0x9FFFFFFF  }
0xc2: {  	(tm) =	ssettm $0x7FFFFFFF  }
0xc3: {  	_ =	shalt  }
tec
execute0_lowered:
.L_overlay_start_1:
0x0: {  	(tag) =	ssettag $0x1  }
0x1: {  	s0 =	srdreg.scid  }
0x2: {  	s1 =	stileid.u32;
	s2 =	rddreg [dreg:$0x0]  }
0x3: {  	s3 =	rddreg [dreg:$0x1];
	s0 =	sand.u32 $0x1, s0;
	s1 =	sshll.u32 s1, $0x1  }
0x4: {  	s4 =	simm.s32 $0x0;
	s30 =	simm.s32 $0x6;
	s1 =	sor.u32 s0, s1  }
0x5: {  	[smem:$0x7FF] =	sst s4;
	s0 =	ssub.s32 $0x2, s0;
	s8 =	smul.u32 $0x3600, s1  }
0x6: {  	s5 =	sadd.s32 $0xDC00, s3;
	_ =	strace $0x80000047;
	s7 =	sshrl.u32 s0, $0x1  }
0x7: {  	s0 =	ssub.s32 s0, s7;
	s1 =	sshrl.u32 s8, $0x3;
	s21 =	sadd.s32 $0x6C000, s8  }
0x8: {  	s22 =	sadd.s32 $0xD8000, s8;
	s23 =	sadd.s32 $0x144000, s8;
	[dreg:$0x3] =	wrdreg s8  }
0x9: {  	s25 =	sadd.s32 $0x1B0000, s8;
	s8 =	sadd.s32 $0x21C000, s8;
	[dreg:$0x4] =	wrdreg s21  }
0xa: {  	s0 =	smax.u32 s0, $0x1;
	s6 =	sadd.s32 s1, s3;
	[dreg:$0x6] =	wrdreg s22  }
0xb: {  	s3 =	sshrl.u32 s21, $0x3;
	s9 =	sadd.s32 s2, s1;
	[dreg:$0x7] =	wrdreg s23  }
0xc: {  	s11 =	sadd.s32 s5, s1;
	s24 =	sshrl.u32 s23, $0x3;
	[dreg:$0x8] =	wrdreg s25  }
0xd: {  	s7 =	sshrl.u32 s25, $0x3;
	[dreg:$0x9] =	wrdreg s8;
	s26 =	sshrl.u32 s8, $0x3  }
0xe: {  	s31 =	sadd.s32 $0x345000, s1;
	s1 =	sadd.s32 $0x352800, s1;
	[dreg:$0xb] =	wrdreg s0  }
0xf: {  	s6 =	sadd.s32 $0x400, s6;
	s10 =	sadd.s32 s2, s3;
	s14 =	sadd.s32 s5, s3  }
0x10: {  	s16 =	sadd.s32 s2, s24;
	s19 =	sadd.s32 s2, s7;
	s20 =	sadd.s32 s5, s24  }
0x11: {  	s17 =	sadd.s32 s2, s26;
	s23 =	sadd.s32 s5, s31;
	s24 =	sadd.s32 s2, s1  }
0x12: {  	s25 =	sadd.s32 s5, s1;
	s28 =	sadd.s32 $0x32A000, s11;
	s29 =	sadd.s32 $0x337800, s11  }
0x13: {  	s3 =	simm.s32 $0x7;
	s1 =	simm.s32 $0x0;
	[dreg:$0x5] =	wrdreg s6  }
0x14: {  	s6 =	sshrl.u32 s22, $0x3;
	s22 =	sadd.s32 s2, s31;
	[dreg:$0xa] =	wrdreg s17  }
0x15: {  	s12 =	sadd.s32 s2, s6;
	s18 =	sadd.s32 s5, s6;
	s6 =	simm.s32 $0x8  }
.LBB2_1:
0x16: {  	[dreg:$0xc] =	wrdreg s1  }
0x17: {  	s0 =	rddreg [dreg:$0x5];
	s31 =	simm.s32 $0x9  }
0x18: {  	[tilespmem:s4], [sflag:$0x9] =	stream.linear.gather [hbm4b:s0+s4], $0x3600, $0x38;
	[tilespmem:$0x10E00] =	vst v63  }
0x19: {  	_ =	swait.ge [sflag:s31], $0x3600  }
0x1a: {  	s1 =	simm.s32 $0x10;
	s8 =	sadd.s32 $0x0, s9;
	[sflag:s31] =	ssyncset.done $0x0  }
0x1b: {  	s7 =	simm.s32 $0x3800;
	s0 =	simm.s32 $0x3600;
	[sflag:s31] =	ssyncadd.s32 $0xFFFFCA00  }
.LBB2_2:
0x1c: {  	[tilespmem:s0], [sflag:$0x1] =	stream.linear.gather [hbm4b:s8+s4], $0x80, $0x38;
	[tilespmem:$0x10E00] =	vst v63  }
0x1d: {  	s8 =	smov.u32 s1;
	s0 =	smov.u32 s7;
	p0 =	sne.s32 s1, $0x6B0  }
.Ltmp0:
0x1e: {  	s1 =	sadd.s32 $0x10, s1;
	(pc) =	sbr.rel @p0 .LBB2_2-.Ltmp0, $2  }
0x1f: {  	_ =	sdelay $0x2  }
0x20: {  	s7 =	sadd.s32 $0x200, s7;
	s8 =	sadd.s32 s8, s9  }
0x21: {  	[tilespmem:s0], [sflag:$0x1] =	stream.linear.gather [hbm4b:s8+s4], $0x80, $0x38;
	[tilespmem:$0x10E00] =	vst v63  }
0x22: {  	s0 =	simm.s32 $0x3680  }
0x23: {  	s1 =	simm.s32 $0x10;
	s8 =	sadd.s32 $0x0, s10;
	s7 =	simm.s32 $0x3880  }
.LBB2_4:
0x24: {  	[tilespmem:s0], [sflag:$0x2] =	stream.linear.gather [hbm4b:s8+s4], $0x80, $0x38;
	[tilespmem:$0x10E00] =	vst v63  }
0x25: {  	s8 =	smov.u32 s1;
	s0 =	smov.u32 s7;
	p0 =	sne.s32 s1, $0x6B0  }
.Ltmp1:
0x26: {  	s1 =	sadd.s32 $0x10, s1;
	(pc) =	sbr.rel @p0 .LBB2_4-.Ltmp1, $2  }
0x27: {  	_ =	sdelay $0x2  }
0x28: {  	s7 =	sadd.s32 $0x200, s7;
	s8 =	sadd.s32 s8, s10  }
0x29: {  	[tilespmem:s0], [sflag:$0x2] =	stream.linear.gather [hbm4b:s8+s4], $0x80, $0x38;
	[tilespmem:$0x10E00] =	vst v63  }
0x2a: {  	s7 =	simm.s32 $0x1  }
0x2b: {  	s26 =	simm.s32 $0x0;
	_ =	swait.ge [sflag:s7], $0x3600  }
0x2c: {  	s1 =	sand.u32 $0x3F800, s26;
	[sflag:s7] =	ssyncset.done $0x0  }
0x2d: {  	s31 =	sand.u32 $0x70, s26;
	s1 =	sshrl.u32 s1, $0x2;
	[sflag:s7] =	ssyncadd.s32 $0xFFFFCA00  }
0x2e: {  	s8 =	sor.u32 s31, s1;
	v0 =	vld [tilespmem:s26+$0x0]  }
0x2f: {  	v1 =	vld [tilespmem:s8+$0x3600];
	_ =	sdelay $0x4  }
0x30: {  	s0 =	simm.s32 $0x10;
	s15 =	simm.s32 $0x100;
	v0 =	vadd.f32 v0, v1  }
0x31: {  	s13 =	simm.s32 $0x10;
	s7 =	sand.u32 $0x3F800, s15;
	s1 =	simm.s32 $0x20  }
.LBB2_6:
0x32: {  	p0 =	sne.s32 s1, $0x35F0;
	s0 =	sand.u32 $0x70, s0;
	s7 =	sshrl.u32 s7, $0x2;
	[tilespmem:s8+$0x3600] =	vst v0  }
0x33: {  	s8 =	sor.u32 s0, s7;
	v0 =	vld [tilespmem:s13+$0x0];
	s0 =	smov.u32 s1  }
0x34: {  	v1 =	vld [tilespmem:s8+$0x3600];
	_ =	sdelay $0x1  }
.Ltmp2:
0x35: {  	(pc) =	sbr.rel @p0 .LBB2_6-.Ltmp2, $3  }
0x36: {  	_ =	sdelay $0x1  }
0x37: {  	s15 =	sadd.s32 $0x100, s15;
	v0 =	vadd.f32 v0, v1  }
0x38: {  	s7 =	sand.u32 $0x3F800, s15;
	s1 =	sadd.s32 $0x10, s1;
	s13 =	sadd.s32 $0x10, s13  }
0x39: {  	s0 =	sand.u32 $0x70, s0;
	s1 =	sshrl.u32 s7, $0x2;
	[tilespmem:s8+$0x3600] =	vst v0  }
0x3a: {  	s1 =	sor.u32 s0, s1;
	v0 =	vld [tilespmem:s13+$0x0]  }
0x3b: {  	v1 =	vld [tilespmem:s1+$0x3600];
	_ =	sdelay $0x4  }
0x3c: {  	v0 =	vadd.f32 v0, v1  }
0x3d: {  	s8 =	sadd.s32 $0x0, s11  }
0x3e: {  	s7 =	simm.s32 $0x3800;
	s0 =	simm.s32 $0x3600;
	[tilespmem:s1+$0x3600] =	vst v0;
	s1 =	simm.s32 $0x10  }
.LBB2_8:
0x3f: {  	[hbm4b:s8+s4] =	stream.linear.scatter [tilespmem:s0], [sflag:$0x5], $0x80, $0x38;
	[tilespmem:$0x10E00] =	vst v63  }
0x40: {  	s8 =	smov.u32 s1;
	s0 =	smov.u32 s7;
	p0 =	sne.s32 s1, $0x6B0  }
.Ltmp3:
0x41: {  	s1 =	sadd.s32 $0x10, s1;
	(pc) =	sbr.rel @p0 .LBB2_8-.Ltmp3, $2  }
0x42: {  	_ =	sdelay $0x2  }
0x43: {  	s7 =	sadd.s32 $0x200, s7;
	s8 =	sadd.s32 s8, s11  }
0x44: {  	[hbm4b:s8+s4] =	stream.linear.scatter [tilespmem:s0], [sflag:$0x5], $0x80, $0x38;
	[tilespmem:$0x10E00] =	vst v63  }
0x45: {  	s0 =	simm.s32 $0x3700  }
0x46: {  	s1 =	simm.s32 $0x10;
	s8 =	sadd.s32 $0x0, s12;
	s7 =	simm.s32 $0x3900  }
.LBB2_10:
0x47: {  	[tilespmem:s0], [sflag:$0x3] =	stream.linear.gather [hbm4b:s8+s4], $0x80, $0x38;
	[tilespmem:$0x10E00] =	vst v63  }
0x48: {  	s8 =	smov.u32 s1;
	s0 =	smov.u32 s7;
	p0 =	sne.s32 s1, $0x6B0  }
.Ltmp4:
0x49: {  	s1 =	sadd.s32 $0x10, s1;
	(pc) =	sbr.rel @p0 .LBB2_10-.Ltmp4, $2  }
0x4a: {  	_ =	sdelay $0x2  }
0x4b: {  	s7 =	sadd.s32 $0x200, s7;
	s8 =	sadd.s32 s8, s12  }
0x4c: {  	[tilespmem:s0], [sflag:$0x3] =	stream.linear.gather [hbm4b:s8+s4], $0x80, $0x38;
	[tilespmem:$0x10E00] =	vst v63  }
0x4d: {  	s7 =	simm.s32 $0x2  }
0x4e: {  	s26 =	simm.s32 $0x0;
	_ =	swait.ge [sflag:s7], $0x3600  }
0x4f: {  	s1 =	sand.u32 $0x3F800, s26;
	[sflag:s7] =	ssyncset.done $0x0  }
0x50: {  	s31 =	sand.u32 $0x70, s26;
	s1 =	sshrl.u32 s1, $0x2;
	[sflag:s7] =	ssyncadd.s32 $0xFFFFCA00  }
0x51: {  	s8 =	sor.u32 s31, s1;
	v0 =	vld [tilespmem:s26+$0x0]  }
0x52: {  	v1 =	vld [tilespmem:s8+$0x3680];
	_ =	sdelay $0x4  }
0x53: {  	s0 =	simm.s32 $0x10;
	s15 =	simm.s32 $0x100;
	v0 =	vadd.f32 v0, v1  }
0x54: {  	s13 =	simm.s32 $0x10;
	s7 =	sand.u32 $0x3F800, s15;
	s1 =	simm.s32 $0x20  }
.LBB2_12:
0x55: {  	p0 =	sne.s32 s1, $0x35F0;
	s0 =	sand.u32 $0x70, s0;
	s7 =	sshrl.u32 s7, $0x2;
	[tilespmem:s8+$0x3680] =	vst v0  }
0x56: {  	s8 =	sor.u32 s0, s7;
	v0 =	vld [tilespmem:s13+$0x0];
	s0 =	smov.u32 s1  }
0x57: {  	v1 =	vld [tilespmem:s8+$0x3680];
	_ =	sdelay $0x1  }
.Ltmp5:
0x58: {  	(pc) =	sbr.rel @p0 .LBB2_12-.Ltmp5, $3  }
0x59: {  	_ =	sdelay $0x1  }
0x5a: {  	s15 =	sadd.s32 $0x100, s15;
	v0 =	vadd.f32 v0, v1  }
0x5b: {  	s7 =	sand.u32 $0x3F800, s15;
	s1 =	sadd.s32 $0x10, s1;
	s13 =	sadd.s32 $0x10, s13  }
0x5c: {  	s0 =	sand.u32 $0x70, s0;
	s1 =	sshrl.u32 s7, $0x2;
	[tilespmem:s8+$0x3680] =	vst v0  }
0x5d: {  	s1 =	sor.u32 s0, s1;
	v0 =	vld [tilespmem:s13+$0x0]  }
0x5e: {  	v1 =	vld [tilespmem:s1+$0x3680];
	_ =	sdelay $0x4  }
0x5f: {  	v0 =	vadd.f32 v0, v1  }
0x60: {  	s8 =	sadd.s32 $0x0, s14  }
0x61: {  	s7 =	simm.s32 $0x3880;
	s0 =	simm.s32 $0x3680;
	[tilespmem:s1+$0x3680] =	vst v0;
	s1 =	simm.s32 $0x10  }
.LBB2_14:
0x62: {  	[hbm4b:s8+s4] =	stream.linear.scatter [tilespmem:s0], [sflag:$0x6], $0x80, $0x38;
	[tilespmem:$0x10E00] =	vst v63  }
0x63: {  	s8 =	smov.u32 s1;
	s0 =	smov.u32 s7;
	p0 =	sne.s32 s1, $0x6B0  }
.Ltmp6:
0x64: {  	s1 =	sadd.s32 $0x10, s1;
	(pc) =	sbr.rel @p0 .LBB2_14-.Ltmp6, $2  }
0x65: {  	_ =	sdelay $0x2  }
0x66: {  	s7 =	sadd.s32 $0x200, s7;
	s8 =	sadd.s32 s8, s14  }
0x67: {  	[hbm4b:s8+s4] =	stream.linear.scatter [tilespmem:s0], [sflag:$0x6], $0x80, $0x38;
	[tilespmem:$0x10E00] =	vst v63  }
0x68: {  	s0 =	simm.s32 $0x3780  }
0x69: {  	s1 =	simm.s32 $0x10;
	s8 =	sadd.s32 $0x0, s16;
	s7 =	simm.s32 $0x3980  }
.LBB2_16:
0x6a: {  	[tilespmem:s0], [sflag:$0x4] =	stream.linear.gather [hbm4b:s8+s4], $0x80, $0x38;
	[tilespmem:$0x10E00] =	vst v63  }
0x6b: {  	s8 =	smov.u32 s1;
	s0 =	smov.u32 s7;
	p0 =	sne.s32 s1, $0x6B0  }
.Ltmp7:
0x6c: {  	s1 =	sadd.s32 $0x10, s1;
	(pc) =	sbr.rel @p0 .LBB2_16-.Ltmp7, $2  }
0x6d: {  	_ =	sdelay $0x2  }
0x6e: {  	s7 =	sadd.s32 $0x200, s7;
	s8 =	sadd.s32 s8, s16  }
0x6f: {  	[tilespmem:s0], [sflag:$0x4] =	stream.linear.gather [hbm4b:s8+s4], $0x80, $0x38;
	[tilespmem:$0x10E00] =	vst v63  }
0x70: {  	s7 =	simm.s32 $0x3  }
0x71: {  	s26 =	simm.s32 $0x0;
	_ =	swait.ge [sflag:s7], $0x3600  }
0x72: {  	s1 =	sand.u32 $0x3F800, s26;
	[sflag:s7] =	ssyncset.done $0x0  }
0x73: {  	s31 =	sand.u32 $0x70, s26;
	s1 =	sshrl.u32 s1, $0x2;
	[sflag:s7] =	ssyncadd.s32 $0xFFFFCA00  }
0x74: {  	s8 =	sor.u32 s31, s1;
	v0 =	vld [tilespmem:s26+$0x0]  }
0x75: {  	v1 =	vld [tilespmem:s8+$0x3700];
	_ =	sdelay $0x4  }
0x76: {  	s0 =	simm.s32 $0x10;
	s15 =	simm.s32 $0x100;
	v0 =	vadd.f32 v0, v1  }
0x77: {  	s13 =	simm.s32 $0x10;
	s7 =	sand.u32 $0x3F800, s15;
	s1 =	simm.s32 $0x20  }
.LBB2_18:
0x78: {  	p0 =	sne.s32 s1, $0x35F0;
	s0 =	sand.u32 $0x70, s0;
	s7 =	sshrl.u32 s7, $0x2;
	[tilespmem:s8+$0x3700] =	vst v0  }
0x79: {  	s8 =	sor.u32 s0, s7;
	v0 =	vld [tilespmem:s13+$0x0];
	s0 =	smov.u32 s1  }
0x7a: {  	v1 =	vld [tilespmem:s8+$0x3700];
	_ =	sdelay $0x1  }
.Ltmp8:
0x7b: {  	(pc) =	sbr.rel @p0 .LBB2_18-.Ltmp8, $3  }
0x7c: {  	_ =	sdelay $0x1  }
0x7d: {  	s15 =	sadd.s32 $0x100, s15;
	v0 =	vadd.f32 v0, v1  }
0x7e: {  	s7 =	sand.u32 $0x3F800, s15;
	s1 =	sadd.s32 $0x10, s1;
	s13 =	sadd.s32 $0x10, s13  }
0x7f: {  	s0 =	sand.u32 $0x70, s0;
	s1 =	sshrl.u32 s7, $0x2;
	[tilespmem:s8+$0x3700] =	vst v0  }
0x80: {  	s1 =	sor.u32 s0, s1;
	v0 =	vld [tilespmem:s13+$0x0]  }
0x81: {  	v1 =	vld [tilespmem:s1+$0x3700];
	_ =	sdelay $0x4  }
0x82: {  	v0 =	vadd.f32 v0, v1  }
0x83: {  	s8 =	sadd.s32 $0x0, s18  }
0x84: {  	s7 =	simm.s32 $0x3900;
	s0 =	simm.s32 $0x3700;
	[tilespmem:s1+$0x3700] =	vst v0;
	s1 =	simm.s32 $0x10  }
.LBB2_20:
0x85: {  	[hbm4b:s8+s4] =	stream.linear.scatter [tilespmem:s0], [sflag:$0x7], $0x80, $0x38;
	[tilespmem:$0x10E00] =	vst v63  }
0x86: {  	s8 =	smov.u32 s1;
	s0 =	smov.u32 s7;
	p0 =	sne.s32 s1, $0x6B0  }
.Ltmp9:
0x87: {  	s1 =	sadd.s32 $0x10, s1;
	(pc) =	sbr.rel @p0 .LBB2_20-.Ltmp9, $2  }
0x88: {  	_ =	sdelay $0x2  }
0x89: {  	s7 =	sadd.s32 $0x200, s7;
	s8 =	sadd.s32 s8, s18  }
0x8a: {  	[hbm4b:s8+s4] =	stream.linear.scatter [tilespmem:s0], [sflag:$0x7], $0x80, $0x38;
	[tilespmem:$0x10E00] =	vst v63  }
0x8b: {  	s31 =	simm.s32 $0x5  }
0x8c: {  	_ =	swait.ge [sflag:s31], $0x3600  }
0x8d: {  	s0 =	simm.s32 $0x3600;
	s1 =	simm.s32 $0x10;
	[sflag:s31] =	ssyncset.done $0x0  }
0x8e: {  	s8 =	sadd.s32 $0x0, s19;
	s7 =	simm.s32 $0x3800;
	[sflag:s31] =	ssyncadd.s32 $0xFFFFCA00  }
.LBB2_22:
0x8f: {  	[tilespmem:s0], [sflag:$0x1] =	stream.linear.gather [hbm4b:s8+s4], $0x80, $0x38;
	[tilespmem:$0x10E00] =	vst v63  }
0x90: {  	s8 =	smov.u32 s1;
	s0 =	smov.u32 s7;
	p0 =	sne.s32 s1, $0x6B0  }
.Ltmp10:
0x91: {  	s1 =	sadd.s32 $0x10, s1;
	(pc) =	sbr.rel @p0 .LBB2_22-.Ltmp10, $2  }
0x92: {  	_ =	sdelay $0x2  }
0x93: {  	s7 =	sadd.s32 $0x200, s7;
	s8 =	sadd.s32 s8, s19  }
0x94: {  	[tilespmem:s0], [sflag:$0x1] =	stream.linear.gather [hbm4b:s8+s4], $0x80, $0x38;
	[tilespmem:$0x10E00] =	vst v63  }
0x95: {  	s7 =	simm.s32 $0x4  }
0x96: {  	s26 =	simm.s32 $0x0;
	_ =	swait.ge [sflag:s7], $0x3600  }
0x97: {  	s1 =	sand.u32 $0x3F800, s26;
	[sflag:s7] =	ssyncset.done $0x0  }
0x98: {  	s31 =	sand.u32 $0x70, s26;
	s1 =	sshrl.u32 s1, $0x2;
	[sflag:s7] =	ssyncadd.s32 $0xFFFFCA00  }
0x99: {  	s8 =	sor.u32 s31, s1;
	v0 =	vld [tilespmem:s26+$0x0]  }
0x9a: {  	v1 =	vld [tilespmem:s8+$0x3780];
	_ =	sdelay $0x4  }
0x9b: {  	s0 =	simm.s32 $0x10;
	s15 =	simm.s32 $0x100;
	v0 =	vadd.f32 v0, v1  }
0x9c: {  	s13 =	simm.s32 $0x10;
	s7 =	sand.u32 $0x3F800, s15;
	s1 =	simm.s32 $0x20  }
.LBB2_24:
0x9d: {  	p0 =	sne.s32 s1, $0x35F0;
	s0 =	sand.u32 $0x70, s0;
	s7 =	sshrl.u32 s7, $0x2;
	[tilespmem:s8+$0x3780] =	vst v0  }
0x9e: {  	s8 =	sor.u32 s0, s7;
	v0 =	vld [tilespmem:s13+$0x0];
	s0 =	smov.u32 s1  }
0x9f: {  	v1 =	vld [tilespmem:s8+$0x3780];
	_ =	sdelay $0x1  }
.Ltmp11:
0xa0: {  	(pc) =	sbr.rel @p0 .LBB2_24-.Ltmp11, $3  }
0xa1: {  	_ =	sdelay $0x1  }
0xa2: {  	s15 =	sadd.s32 $0x100, s15;
	v0 =	vadd.f32 v0, v1  }
0xa3: {  	s7 =	sand.u32 $0x3F800, s15;
	s1 =	sadd.s32 $0x10, s1;
	s13 =	sadd.s32 $0x10, s13  }
0xa4: {  	s0 =	sand.u32 $0x70, s0;
	s1 =	sshrl.u32 s7, $0x2;
	[tilespmem:s8+$0x3780] =	vst v0  }
0xa5: {  	s1 =	sor.u32 s0, s1;
	v0 =	vld [tilespmem:s13+$0x0]  }
0xa6: {  	v1 =	vld [tilespmem:s1+$0x3780];
	_ =	sdelay $0x4  }
0xa7: {  	v0 =	vadd.f32 v0, v1  }
0xa8: {  	s8 =	sadd.s32 $0x0, s20  }
0xa9: {  	s7 =	simm.s32 $0x3980;
	s0 =	simm.s32 $0x3780;
	[tilespmem:s1+$0x3780] =	vst v0;
	s1 =	simm.s32 $0x10  }
.LBB2_26:
0xaa: {  	[hbm4b:s8+s4] =	stream.linear.scatter [tilespmem:s0], [sflag:$0x8], $0x80, $0x38;
	[tilespmem:$0x10E00] =	vst v63  }
0xab: {  	s8 =	smov.u32 s1;
	s0 =	smov.u32 s7;
	p0 =	sne.s32 s1, $0x6B0  }
.Ltmp12:
0xac: {  	s1 =	sadd.s32 $0x10, s1;
	(pc) =	sbr.rel @p0 .LBB2_26-.Ltmp12, $2  }
0xad: {  	_ =	sdelay $0x2  }
0xae: {  	s7 =	sadd.s32 $0x200, s7;
	s8 =	sadd.s32 s8, s20  }
0xaf: {  	[hbm4b:s8+s4] =	stream.linear.scatter [tilespmem:s0], [sflag:$0x8], $0x80, $0x38;
	[tilespmem:$0x10E00] =	vst v63  }
0xb0: {  	_ =	swait.ge [sflag:s30], $0x3600  }
0xb1: {  	[sflag:s30] =	ssyncset.done $0x0  }
0xb2: {  	s0 =	simm.s32 $0x0;
	s1 =	simm.s32 $0x3680;
	[sflag:s30] =	ssyncadd.s32 $0xFFFFCA00  }
.LBB2_28:
0xb3: {  	p0 =	sne.s32 s0, $0x6B0  }
.Ltmp13:
0xb4: {  	_ = 	snop;
	(pc) =	sbr.rel @p0 .LBB2_28-.Ltmp13, $4  }
0xb5: {  	_ = 	snop  }
0xb6: {  	s7 =	sadd.s32 s0, s17  }
0xb7: {  	[tilespmem:s1], [sflag:$0x2] =	stream.linear.gather [hbm4b:s7+s4], $0x80, $0x38;
	[tilespmem:$0x10E00] =	vst v63  }
0xb8: {  	s0 =	sadd.s32 $0x10, s0;
	s1 =	sadd.s32 $0x200, s1  }
0xb9: {  	s8 =	simm.s32 $0x1  }
.LBB2_30:
0xba: {  	s7 =	simm.s32 $0x1  }
0xbb: {  	s0 =	simm.s32 $0x0;
	_ =	swait.ge [sflag:s7], $0x3600  }
0xbc: {  	s1 =	sand.u32 $0x3F800, s0;
	[sflag:s7] =	ssyncset.done $0x0  }
0xbd: {  	s31 =	sand.u32 $0x70, s0;
	s1 =	sshrl.u32 s1, $0x2;
	[sflag:s7] =	ssyncadd.s32 $0xFFFFCA00  }
0xbe: {  	s13 =	sor.u32 s31, s1;
	v0 =	vld [tilespmem:s0+$0x0]  }
0xbf: {  	v1 =	vld [tilespmem:s13+$0x3600];
	_ =	sdelay $0x4  }
0xc0: {  	s17 =	simm.s32 $0x100;
	s15 =	simm.s32 $0x10;
	v0 =	vadd.f32 v0, v1  }
0xc1: {  	s7 =	sand.u32 $0x3F800, s17;
	s1 =	simm.s32 $0x20;
	s0 =	simm.s32 $0x10  }
.LBB2_31:
0xc2: {  	p0 =	sne.s32 s1, $0x35F0;
	s0 =	sand.u32 $0x70, s0;
	s7 =	sshrl.u32 s7, $0x2;
	[tilespmem:s13+$0x3600] =	vst v0  }
0xc3: {  	s13 =	sor.u32 s0, s7;
	v0 =	vld [tilespmem:s15+$0x0];
	s0 =	smov.u32 s1  }
0xc4: {  	v1 =	vld [tilespmem:s13+$0x3600];
	_ =	sdelay $0x1  }
.Ltmp14:
0xc5: {  	(pc) =	sbr.rel @p0 .LBB2_31-.Ltmp14, $3  }
0xc6: {  	_ =	sdelay $0x1  }
0xc7: {  	s17 =	sadd.s32 $0x100, s17;
	v0 =	vadd.f32 v0, v1  }
0xc8: {  	s7 =	sand.u32 $0x3F800, s17;
	s1 =	sadd.s32 $0x10, s1;
	s15 =	sadd.s32 $0x10, s15  }
0xc9: {  	s0 =	sand.u32 $0x70, s0;
	s1 =	sshrl.u32 s7, $0x2;
	[tilespmem:s13+$0x3600] =	vst v0  }
0xca: {  	s7 =	sor.u32 s0, s1;
	v0 =	vld [tilespmem:s15+$0x0]  }
0xcb: {  	v1 =	vld [tilespmem:s7+$0x3600];
	_ =	sdelay $0x1  }
0xcc: {  	s13 =	smul.u32 $0x1B0000, s8  }
0xcd: {  	s31 =	rddreg [dreg:$0x3]  }
0xce: {  	s0 =	sadd.s32 s31, s13  }
0xcf: {  	s0 =	sshrl.u32 s0, $0x3;
	v0 =	vadd.f32 v0, v1  }
0xd0: {  	s1 =	simm.s32 $0x3600;
	s0 =	sadd.s32 s5, s0  }
0xd1: {  	s15 =	simm.s32 $0x3800;
	s17 =	sadd.s32 $0x0, s0;
	[tilespmem:s7+$0x3600] =	vst v0;
	s7 =	simm.s32 $0x10  }
.LBB2_33:
0xd2: {  	[hbm4b:s17+s4] =	stream.linear.scatter [tilespmem:s1], [sflag:$0x5], $0x80, $0x38;
	[tilespmem:$0x10E00] =	vst v63  }
0xd3: {  	s17 =	smov.u32 s7;
	s1 =	smov.u32 s15;
	p0 =	sne.s32 s7, $0x6B0  }
.Ltmp15:
0xd4: {  	s7 =	sadd.s32 $0x10, s7;
	(pc) =	sbr.rel @p0 .LBB2_33-.Ltmp15, $2  }
0xd5: {  	_ =	sdelay $0x2  }
0xd6: {  	s15 =	sadd.s32 $0x200, s15;
	s17 =	sadd.s32 s17, s0  }
0xd7: {  	[hbm4b:s17+s4] =	stream.linear.scatter [tilespmem:s1], [sflag:$0x5], $0x80, $0x38;
	[tilespmem:$0x10E00] =	vst v63  }
0xd8: {  	_ =	swait.ge [sflag:s3], $0x3600  }
0xd9: {  	s0 =	rddreg [dreg:$0x6]  }
0xda: {  	s0 =	sadd.s32 s13, s0  }
0xdb: {  	s1 =	simm.s32 $0x3700;
	s15 =	sshrl.u32 s0, $0x3  }
0xdc: {  	s7 =	simm.s32 $0x10;
	[sflag:s3] =	ssyncset.done $0x0;
	s0 =	sadd.s32 s2, s15  }
0xdd: {  	s17 =	simm.s32 $0x3900;
	[sflag:s3] =	ssyncadd.s32 $0xFFFFCA00;
	s21 =	sadd.s32 $0x0, s0  }
.LBB2_35:
0xde: {  	[tilespmem:s1], [sflag:$0x3] =	stream.linear.gather [hbm4b:s21+s4], $0x80, $0x38;
	[tilespmem:$0x10E00] =	vst v63  }
0xdf: {  	s21 =	smov.u32 s7;
	s1 =	smov.u32 s17;
	p0 =	sne.s32 s7, $0x6B0  }
.Ltmp16:
0xe0: {  	s7 =	sadd.s32 $0x10, s7;
	(pc) =	sbr.rel @p0 .LBB2_35-.Ltmp16, $2  }
0xe1: {  	_ =	sdelay $0x2  }
0xe2: {  	s17 =	sadd.s32 $0x200, s17;
	s21 =	sadd.s32 s21, s0  }
0xe3: {  	[tilespmem:s1], [sflag:$0x3] =	stream.linear.gather [hbm4b:s21+s4], $0x80, $0x38;
	[tilespmem:$0x10E00] =	vst v63  }
0xe4: {  	s7 =	simm.s32 $0x2  }
0xe5: {  	s0 =	simm.s32 $0x0;
	_ =	swait.ge [sflag:s7], $0x3600  }
0xe6: {  	s21 =	sand.u32 $0x3F800, s0;
	[sflag:s7] =	ssyncset.done $0x0  }
0xe7: {  	s26 =	sand.u32 $0x70, s0;
	s1 =	sshrl.u32 s21, $0x2;
	[sflag:s7] =	ssyncadd.s32 $0xFFFFCA00  }
0xe8: {  	s17 =	sor.u32 s26, s1;
	v0 =	vld [tilespmem:s0+$0x0]  }
0xe9: {  	v1 =	vld [tilespmem:s17+$0x3680];
	_ =	sdelay $0x4  }
0xea: {  	s31 =	simm.s32 $0x100;
	s21 =	simm.s32 $0x10;
	v0 =	vadd.f32 v0, v1  }
0xeb: {  	s7 =	sand.u32 $0x3F800, s31;
	s1 =	simm.s32 $0x20;
	s0 =	simm.s32 $0x10  }
.LBB2_37:
0xec: {  	p0 =	sne.s32 s1, $0x35F0;
	s0 =	sand.u32 $0x70, s0;
	s7 =	sshrl.u32 s7, $0x2;
	[tilespmem:s17+$0x3680] =	vst v0  }
0xed: {  	s17 =	sor.u32 s0, s7;
	v0 =	vld [tilespmem:s21+$0x0];
	s0 =	smov.u32 s1  }
0xee: {  	v1 =	vld [tilespmem:s17+$0x3680];
	_ =	sdelay $0x1  }
.Ltmp17:
0xef: {  	(pc) =	sbr.rel @p0 .LBB2_37-.Ltmp17, $3  }
0xf0: {  	_ =	sdelay $0x1  }
0xf1: {  	s31 =	sadd.s32 $0x100, s31;
	v0 =	vadd.f32 v0, v1  }
0xf2: {  	s7 =	sand.u32 $0x3F800, s31;
	s1 =	sadd.s32 $0x10, s1;
	s21 =	sadd.s32 $0x10, s21  }
0xf3: {  	s0 =	sand.u32 $0x70, s0;
	s1 =	sshrl.u32 s7, $0x2;
	[tilespmem:s17+$0x3680] =	vst v0  }
0xf4: {  	s7 =	sor.u32 s0, s1;
	v0 =	vld [tilespmem:s21+$0x0]  }
0xf5: {  	v1 =	vld [tilespmem:s7+$0x3680];
	_ =	sdelay $0x2  }
0xf6: {  	s31 =	rddreg [dreg:$0x4]  }
0xf7: {  	s0 =	sadd.s32 s13, s31  }
0xf8: {  	s0 =	sshrl.u32 s0, $0x3;
	v0 =	vadd.f32 v0, v1  }
0xf9: {  	s17 =	simm.s32 $0x3880;
	s0 =	sadd.s32 s5, s0  }
0xfa: {  	s1 =	simm.s32 $0x3680;
	s21 =	sadd.s32 $0x0, s0;
	[tilespmem:s7+$0x3680] =	vst v0;
	s7 =	simm.s32 $0x10  }
.LBB2_39:
0xfb: {  	[hbm4b:s21+s4] =	stream.linear.scatter [tilespmem:s1], [sflag:$0x6], $0x80, $0x38;
	[tilespmem:$0x10E00] =	vst v63  }
0xfc: {  	s21 =	smov.u32 s7;
	s1 =	smov.u32 s17;
	p0 =	sne.s32 s7, $0x6B0  }
.Ltmp18:
0xfd: {  	s7 =	sadd.s32 $0x10, s7;
	(pc) =	sbr.rel @p0 .LBB2_39-.Ltmp18, $2  }
0xfe: {  	_ =	sdelay $0x2  }
0xff: {  	s17 =	sadd.s32 $0x200, s17;
	s21 =	sadd.s32 s21, s0  }
0x100: {  	[hbm4b:s21+s4] =	stream.linear.scatter [tilespmem:s1], [sflag:$0x6], $0x80, $0x38;
	[tilespmem:$0x10E00] =	vst v63  }
0x101: {  	_ =	swait.ge [sflag:s6], $0x3600  }
0x102: {  	s0 =	rddreg [dreg:$0x7]  }
0x103: {  	s0 =	sadd.s32 s13, s0  }
0x104: {  	s1 =	simm.s32 $0x3780;
	s17 =	sshrl.u32 s0, $0x3  }
0x105: {  	s7 =	simm.s32 $0x10;
	[sflag:s6] =	ssyncset.done $0x0;
	s0 =	sadd.s32 s2, s17  }
0x106: {  	s21 =	simm.s32 $0x3980;
	[sflag:s6] =	ssyncadd.s32 $0xFFFFCA00;
	s26 =	sadd.s32 $0x0, s0  }
.LBB2_41:
0x107: {  	[tilespmem:s1], [sflag:$0x4] =	stream.linear.gather [hbm4b:s26+s4], $0x80, $0x38;
	[tilespmem:$0x10E00] =	vst v63  }
0x108: {  	s26 =	smov.u32 s7;
	s1 =	smov.u32 s21;
	p0 =	sne.s32 s7, $0x6B0  }
.Ltmp19:
0x109: {  	s7 =	sadd.s32 $0x10, s7;
	(pc) =	sbr.rel @p0 .LBB2_41-.Ltmp19, $2  }
0x10a: {  	_ =	sdelay $0x2  }
0x10b: {  	s21 =	sadd.s32 $0x200, s21;
	s26 =	sadd.s32 s26, s0  }
0x10c: {  	[tilespmem:s1], [sflag:$0x4] =	stream.linear.gather [hbm4b:s26+s4], $0x80, $0x38;
	[tilespmem:$0x10E00] =	vst v63  }
0x10d: {  	s7 =	simm.s32 $0x3  }
0x10e: {  	s0 =	simm.s32 $0x0;
	_ =	swait.ge [sflag:s7], $0x3600  }
0x10f: {  	s21 =	sand.u32 $0x3F800, s0;
	[sflag:s7] =	ssyncset.done $0x0  }
0x110: {  	s26 =	sand.u32 $0x70, s0;
	s1 =	sshrl.u32 s21, $0x2;
	[sflag:s7] =	ssyncadd.s32 $0xFFFFCA00  }
0x111: {  	s21 =	sor.u32 s26, s1;
	v0 =	vld [tilespmem:s0+$0x0]  }
0x112: {  	v1 =	vld [tilespmem:s21+$0x3700];
	_ =	sdelay $0x4  }
0x113: {  	s31 =	simm.s32 $0x10;
	s1 =	simm.s32 $0x100;
	v0 =	vadd.f32 v0, v1  }
0x114: {  	s7 =	simm.s32 $0x10;
	s26 =	sand.u32 $0x3F800, s1;
	s0 =	simm.s32 $0x20  }
.LBB2_43:
0x115: {  	p0 =	sne.s32 s0, $0x35F0;
	s7 =	sand.u32 $0x70, s7;
	s26 =	sshrl.u32 s26, $0x2;
	[tilespmem:s21+$0x3700] =	vst v0  }
0x116: {  	s21 =	sor.u32 s7, s26;
	v0 =	vld [tilespmem:s31+$0x0];
	s7 =	smov.u32 s0  }
0x117: {  	v1 =	vld [tilespmem:s21+$0x3700];
	_ =	sdelay $0x1  }
.Ltmp20:
0x118: {  	(pc) =	sbr.rel @p0 .LBB2_43-.Ltmp20, $3  }
0x119: {  	_ =	sdelay $0x1  }
0x11a: {  	s1 =	sadd.s32 $0x100, s1;
	v0 =	vadd.f32 v0, v1  }
0x11b: {  	s26 =	sand.u32 $0x3F800, s1;
	s0 =	sadd.s32 $0x10, s0;
	s31 =	sadd.s32 $0x10, s31  }
0x11c: {  	s0 =	sand.u32 $0x70, s7;
	s1 =	sshrl.u32 s26, $0x2;
	[tilespmem:s21+$0x3700] =	vst v0  }
0x11d: {  	s7 =	sor.u32 s0, s1;
	v0 =	vld [tilespmem:s31+$0x0]  }
0x11e: {  	v1 =	vld [tilespmem:s7+$0x3700];
	_ =	sdelay $0x4  }
0x11f: {  	v0 =	vadd.f32 v0, v1  }
0x120: {  	s0 =	sadd.s32 s5, s15;
	s1 =	simm.s32 $0x3700  }
0x121: {  	s15 =	simm.s32 $0x3900;
	s21 =	sadd.s32 $0x0, s0;
	[tilespmem:s7+$0x3700] =	vst v0;
	s7 =	simm.s32 $0x10  }
.LBB2_45:
0x122: {  	[hbm4b:s21+s4] =	stream.linear.scatter [tilespmem:s1], [sflag:$0x7], $0x80, $0x38;
	[tilespmem:$0x10E00] =	vst v63  }
0x123: {  	s21 =	smov.u32 s7;
	s1 =	smov.u32 s15;
	p0 =	sne.s32 s7, $0x6B0  }
.Ltmp21:
0x124: {  	s7 =	sadd.s32 $0x10, s7;
	(pc) =	sbr.rel @p0 .LBB2_45-.Ltmp21, $2  }
0x125: {  	_ =	sdelay $0x2  }
0x126: {  	s15 =	sadd.s32 $0x200, s15;
	s21 =	sadd.s32 s21, s0  }
0x127: {  	[hbm4b:s21+s4] =	stream.linear.scatter [tilespmem:s1], [sflag:$0x7], $0x80, $0x38;
	[tilespmem:$0x10E00] =	vst v63  }
0x128: {  	s31 =	simm.s32 $0x5  }
0x129: {  	_ =	swait.ge [sflag:s31], $0x3600  }
0x12a: {  	s0 =	rddreg [dreg:$0x8]  }
0x12b: {  	s0 =	sadd.s32 s13, s0  }
0x12c: {  	s1 =	simm.s32 $0x3600;
	s0 =	sshrl.u32 s0, $0x3  }
0x12d: {  	s7 =	simm.s32 $0x10;
	[sflag:s31] =	ssyncset.done $0x0;
	s0 =	sadd.s32 s2, s0  }
0x12e: {  	s15 =	simm.s32 $0x3800;
	[sflag:s31] =	ssyncadd.s32 $0xFFFFCA00;
	s21 =	sadd.s32 $0x0, s0  }
.LBB2_47:
0x12f: {  	[tilespmem:s1], [sflag:$0x1] =	stream.linear.gather [hbm4b:s21+s4], $0x80, $0x38;
	[tilespmem:$0x10E00] =	vst v63  }
0x130: {  	s21 =	smov.u32 s7;
	s1 =	smov.u32 s15;
	p0 =	sne.s32 s7, $0x6B0  }
.Ltmp22:
0x131: {  	s7 =	sadd.s32 $0x10, s7;
	(pc) =	sbr.rel @p0 .LBB2_47-.Ltmp22, $2  }
0x132: {  	_ =	sdelay $0x2  }
0x133: {  	s15 =	sadd.s32 $0x200, s15;
	s21 =	sadd.s32 s21, s0  }
0x134: {  	[tilespmem:s1], [sflag:$0x1] =	stream.linear.gather [hbm4b:s21+s4], $0x80, $0x38;
	[tilespmem:$0x10E00] =	vst v63  }
0x135: {  	s7 =	simm.s32 $0x4  }
0x136: {  	s0 =	simm.s32 $0x0;
	_ =	swait.ge [sflag:s7], $0x3600  }
0x137: {  	s26 =	sand.u32 $0x3F800, s0;
	[sflag:s7] =	ssyncset.done $0x0  }
0x138: {  	s31 =	sand.u32 $0x70, s0;
	s1 =	sshrl.u32 s26, $0x2;
	[sflag:s7] =	ssyncadd.s32 $0xFFFFCA00  }
0x139: {  	s15 =	sor.u32 s31, s1;
	v0 =	vld [tilespmem:s0+$0x0]  }
0x13a: {  	v1 =	vld [tilespmem:s15+$0x3780];
	_ =	sdelay $0x4  }
0x13b: {  	s21 =	simm.s32 $0x10;
	s1 =	simm.s32 $0x100;
	v0 =	vadd.f32 v0, v1  }
0x13c: {  	s7 =	simm.s32 $0x10;
	s26 =	sand.u32 $0x3F800, s1;
	s0 =	simm.s32 $0x20  }
.LBB2_49:
0x13d: {  	p0 =	sne.s32 s0, $0x35F0;
	s7 =	sand.u32 $0x70, s7;
	s26 =	sshrl.u32 s26, $0x2;
	[tilespmem:s15+$0x3780] =	vst v0  }
0x13e: {  	s15 =	sor.u32 s7, s26;
	v0 =	vld [tilespmem:s21+$0x0];
	s7 =	smov.u32 s0  }
0x13f: {  	v1 =	vld [tilespmem:s15+$0x3780];
	_ =	sdelay $0x1  }
.Ltmp23:
0x140: {  	(pc) =	sbr.rel @p0 .LBB2_49-.Ltmp23, $3  }
0x141: {  	_ =	sdelay $0x1  }
0x142: {  	s1 =	sadd.s32 $0x100, s1;
	v0 =	vadd.f32 v0, v1  }
0x143: {  	s26 =	sand.u32 $0x3F800, s1;
	s0 =	sadd.s32 $0x10, s0;
	s21 =	sadd.s32 $0x10, s21  }
0x144: {  	s0 =	sand.u32 $0x70, s7;
	s1 =	sshrl.u32 s26, $0x2;
	[tilespmem:s15+$0x3780] =	vst v0  }
0x145: {  	s7 =	sor.u32 s0, s1;
	v0 =	vld [tilespmem:s21+$0x0]  }
0x146: {  	v1 =	vld [tilespmem:s7+$0x3780];
	_ =	sdelay $0x4  }
0x147: {  	v0 =	vadd.f32 v0, v1  }
0x148: {  	s15 =	simm.s32 $0x3980;
	s0 =	sadd.s32 s5, s17  }
0x149: {  	s1 =	simm.s32 $0x3780;
	s17 =	sadd.s32 $0x0, s0;
	[tilespmem:s7+$0x3780] =	vst v0;
	s7 =	simm.s32 $0x10  }
.LBB2_51:
0x14a: {  	[hbm4b:s17+s4] =	stream.linear.scatter [tilespmem:s1], [sflag:$0x8], $0x80, $0x38;
	[tilespmem:$0x10E00] =	vst v63  }
0x14b: {  	s17 =	smov.u32 s7;
	s1 =	smov.u32 s15;
	p0 =	sne.s32 s7, $0x6B0  }
.Ltmp24:
0x14c: {  	s7 =	sadd.s32 $0x10, s7;
	(pc) =	sbr.rel @p0 .LBB2_51-.Ltmp24, $2  }
0x14d: {  	_ =	sdelay $0x2  }
0x14e: {  	s15 =	sadd.s32 $0x200, s15;
	s17 =	sadd.s32 s17, s0  }
0x14f: {  	[hbm4b:s17+s4] =	stream.linear.scatter [tilespmem:s1], [sflag:$0x8], $0x80, $0x38;
	[tilespmem:$0x10E00] =	vst v63  }
0x150: {  	_ =	swait.ge [sflag:s30], $0x3600  }
0x151: {  	s0 =	rddreg [dreg:$0x9]  }
0x152: {  	s0 =	sadd.s32 s13, s0  }
0x153: {  	s1 =	simm.s32 $0x3680;
	s0 =	sshrl.u32 s0, $0x3  }
0x154: {  	s7 =	simm.s32 $0x10;
	[sflag:s30] =	ssyncset.done $0x0;
	s0 =	sadd.s32 s2, s0  }
0x155: {  	[sflag:s30] =	ssyncadd.s32 $0xFFFFCA00;
	s13 =	simm.s32 $0x3880;
	s15 =	sadd.s32 $0x0, s0  }
.LBB2_53:
0x156: {  	[tilespmem:s1], [sflag:$0x2] =	stream.linear.gather [hbm4b:s15+s4], $0x80, $0x38;
	[tilespmem:$0x10E00] =	vst v63  }
0x157: {  	s15 =	smov.u32 s7;
	s1 =	smov.u32 s13;
	p0 =	sne.s32 s7, $0x6B0  }
.Ltmp25:
0x158: {  	s7 =	sadd.s32 $0x10, s7;
	(pc) =	sbr.rel @p0 .LBB2_53-.Ltmp25, $2  }
0x159: {  	_ =	sdelay $0x2  }
0x15a: {  	s13 =	sadd.s32 $0x200, s13;
	s15 =	sadd.s32 s15, s0  }
0x15b: {  	s8 =	sadd.s32 $0x1, s8  }
0x15c: {  	p0 =	sne.s32 s8, $0xF  }
.Ltmp26:
0x15d: {  	_ = 	snop;
	(pc) =	sbr.rel @p0 .LBB2_30-.Ltmp26, $2  }
0x15e: {  	_ =	sdelay $0x2  }
0x15f: {  	[tilespmem:s1], [sflag:$0x2] =	stream.linear.gather [hbm4b:s15+s4], $0x80, $0x38;
	[tilespmem:$0x10E00] =	vst v63  }
0x160: {  	s7 =	simm.s32 $0x1  }
0x161: {  	s0 =	simm.s32 $0x0;
	_ =	swait.ge [sflag:s7], $0x3600  }
0x162: {  	s1 =	sand.u32 $0x3F800, s0;
	[sflag:s7] =	ssyncset.done $0x0  }
0x163: {  	s31 =	sand.u32 $0x70, s0;
	s1 =	sshrl.u32 s1, $0x2;
	[sflag:s7] =	ssyncadd.s32 $0xFFFFCA00  }
0x164: {  	s8 =	sor.u32 s31, s1;
	v0 =	vld [tilespmem:s0+$0x0]  }
0x165: {  	v1 =	vld [tilespmem:s8+$0x3600];
	_ =	sdelay $0x4  }
0x166: {  	s13 =	simm.s32 $0x10;
	s1 =	simm.s32 $0x100;
	v0 =	vadd.f32 v0, v1  }
0x167: {  	s7 =	simm.s32 $0x10;
	s15 =	sand.u32 $0x3F800, s1;
	s0 =	simm.s32 $0x20  }
.LBB2_56:
0x168: {  	p0 =	sne.s32 s0, $0x35F0;
	s7 =	sand.u32 $0x70, s7;
	s15 =	sshrl.u32 s15, $0x2;
	[tilespmem:s8+$0x3600] =	vst v0  }
0x169: {  	s8 =	sor.u32 s7, s15;
	v0 =	vld [tilespmem:s13+$0x0];
	s7 =	smov.u32 s0  }
0x16a: {  	v1 =	vld [tilespmem:s8+$0x3600];
	_ =	sdelay $0x1  }
.Ltmp27:
0x16b: {  	(pc) =	sbr.rel @p0 .LBB2_56-.Ltmp27, $3  }
0x16c: {  	_ =	sdelay $0x1  }
0x16d: {  	s1 =	sadd.s32 $0x100, s1;
	v0 =	vadd.f32 v0, v1  }
0x16e: {  	s15 =	sand.u32 $0x3F800, s1;
	s0 =	sadd.s32 $0x10, s0;
	s13 =	sadd.s32 $0x10, s13  }
0x16f: {  	s0 =	sand.u32 $0x70, s7;
	s1 =	sshrl.u32 s15, $0x2;
	[tilespmem:s8+$0x3600] =	vst v0  }
0x170: {  	s1 =	sor.u32 s0, s1;
	v0 =	vld [tilespmem:s13+$0x0]  }
0x171: {  	v1 =	vld [tilespmem:s1+$0x3600];
	_ =	sdelay $0x4  }
0x172: {  	v0 =	vadd.f32 v0, v1  }
0x173: {  	s8 =	sadd.s32 $0x0, s28  }
0x174: {  	s7 =	simm.s32 $0x3800;
	s0 =	simm.s32 $0x3600;
	[tilespmem:s1+$0x3600] =	vst v0;
	s1 =	simm.s32 $0x10  }
.LBB2_58:
0x175: {  	[hbm4b:s8+s4] =	stream.linear.scatter [tilespmem:s0], [sflag:$0x5], $0x80, $0x38;
	[tilespmem:$0x10E00] =	vst v63  }
0x176: {  	s8 =	smov.u32 s1;
	s0 =	smov.u32 s7;
	p0 =	sne.s32 s1, $0x6B0  }
.Ltmp28:
0x177: {  	s1 =	sadd.s32 $0x10, s1;
	(pc) =	sbr.rel @p0 .LBB2_58-.Ltmp28, $2  }
0x178: {  	_ =	sdelay $0x2  }
0x179: {  	s7 =	sadd.s32 $0x200, s7;
	s8 =	sadd.s32 s8, s28  }
0x17a: {  	[hbm4b:s8+s4] =	stream.linear.scatter [tilespmem:s0], [sflag:$0x5], $0x80, $0x38;
	[tilespmem:$0x10E00] =	vst v63  }
0x17b: {  	_ =	swait.ge [sflag:s3], $0x3600  }
0x17c: {  	s0 =	simm.s32 $0x3700;
	s1 =	simm.s32 $0x10;
	[sflag:s3] =	ssyncset.done $0x0  }
0x17d: {  	s8 =	sadd.s32 $0x0, s22;
	s7 =	simm.s32 $0x3900;
	[sflag:s3] =	ssyncadd.s32 $0xFFFFCA00  }
.LBB2_60:
0x17e: {  	[tilespmem:s0], [sflag:$0x3] =	stream.linear.gather [hbm4b:s8+s4], $0x80, $0x38;
	[tilespmem:$0x10E00] =	vst v63  }
0x17f: {  	s8 =	smov.u32 s1;
	s0 =	smov.u32 s7;
	p0 =	sne.s32 s1, $0x6B0  }
.Ltmp29:
0x180: {  	s1 =	sadd.s32 $0x10, s1;
	(pc) =	sbr.rel @p0 .LBB2_60-.Ltmp29, $2  }
0x181: {  	_ =	sdelay $0x2  }
0x182: {  	s7 =	sadd.s32 $0x200, s7;
	s8 =	sadd.s32 s8, s22  }
0x183: {  	[tilespmem:s0], [sflag:$0x3] =	stream.linear.gather [hbm4b:s8+s4], $0x80, $0x38;
	[tilespmem:$0x10E00] =	vst v63  }
0x184: {  	s7 =	simm.s32 $0x2  }
0x185: {  	s26 =	simm.s32 $0x0;
	_ =	swait.ge [sflag:s7], $0x3600  }
0x186: {  	s1 =	sand.u32 $0x3F800, s26;
	[sflag:s7] =	ssyncset.done $0x0  }
0x187: {  	s31 =	sand.u32 $0x70, s26;
	s1 =	sshrl.u32 s1, $0x2;
	[sflag:s7] =	ssyncadd.s32 $0xFFFFCA00  }
0x188: {  	s8 =	sor.u32 s31, s1;
	v0 =	vld [tilespmem:s26+$0x0]  }
0x189: {  	v1 =	vld [tilespmem:s8+$0x3680];
	_ =	sdelay $0x4  }
0x18a: {  	s0 =	simm.s32 $0x20;
	s13 =	simm.s32 $0x10;
	s1 =	simm.s32 $0x100;
	v0 =	vadd.f32 v0, v1  }
0x18b: {  	s17 =	rddreg [dreg:$0xa];
	s7 =	simm.s32 $0x10;
	s15 =	sand.u32 $0x3F800, s1  }
.LBB2_62:
0x18c: {  	p0 =	sne.s32 s0, $0x35F0;
	s7 =	sand.u32 $0x70, s7;
	s15 =	sshrl.u32 s15, $0x2;
	[tilespmem:s8+$0x3680] =	vst v0  }
0x18d: {  	s8 =	sor.u32 s7, s15;
	v0 =	vld [tilespmem:s13+$0x0];
	s7 =	smov.u32 s0  }
0x18e: {  	v1 =	vld [tilespmem:s8+$0x3680];
	_ =	sdelay $0x1  }
.Ltmp30:
0x18f: {  	(pc) =	sbr.rel @p0 .LBB2_62-.Ltmp30, $3  }
0x190: {  	_ =	sdelay $0x1  }
0x191: {  	s1 =	sadd.s32 $0x100, s1;
	v0 =	vadd.f32 v0, v1  }
0x192: {  	s15 =	sand.u32 $0x3F800, s1;
	s0 =	sadd.s32 $0x10, s0;
	s13 =	sadd.s32 $0x10, s13  }
0x193: {  	s0 =	sand.u32 $0x70, s7;
	s1 =	sshrl.u32 s15, $0x2;
	[tilespmem:s8+$0x3680] =	vst v0  }
0x194: {  	s1 =	sor.u32 s0, s1;
	v0 =	vld [tilespmem:s13+$0x0]  }
0x195: {  	v1 =	vld [tilespmem:s1+$0x3680];
	_ =	sdelay $0x4  }
0x196: {  	v0 =	vadd.f32 v0, v1  }
0x197: {  	s8 =	sadd.s32 $0x0, s29  }
0x198: {  	s7 =	simm.s32 $0x3880;
	s0 =	simm.s32 $0x3680;
	[tilespmem:s1+$0x3680] =	vst v0;
	s1 =	simm.s32 $0x10  }
.LBB2_64:
0x199: {  	[hbm4b:s8+s4] =	stream.linear.scatter [tilespmem:s0], [sflag:$0x6], $0x80, $0x38;
	[tilespmem:$0x10E00] =	vst v63  }
0x19a: {  	s8 =	smov.u32 s1;
	s0 =	smov.u32 s7;
	p0 =	sne.s32 s1, $0x6B0  }
.Ltmp31:
0x19b: {  	s1 =	sadd.s32 $0x10, s1;
	(pc) =	sbr.rel @p0 .LBB2_64-.Ltmp31, $2  }
0x19c: {  	_ =	sdelay $0x2  }
0x19d: {  	s7 =	sadd.s32 $0x200, s7;
	s8 =	sadd.s32 s8, s29  }
0x19e: {  	[hbm4b:s8+s4] =	stream.linear.scatter [tilespmem:s0], [sflag:$0x6], $0x80, $0x38;
	[tilespmem:$0x10E00] =	vst v63  }
0x19f: {  	_ =	swait.ge [sflag:s6], $0x3600  }
0x1a0: {  	s0 =	simm.s32 $0x3780;
	s1 =	simm.s32 $0x10;
	[sflag:s6] =	ssyncset.done $0x0  }
0x1a1: {  	s8 =	sadd.s32 $0x0, s24;
	s7 =	simm.s32 $0x3980;
	[sflag:s6] =	ssyncadd.s32 $0xFFFFCA00  }
.LBB2_66:
0x1a2: {  	[tilespmem:s0], [sflag:$0x4] =	stream.linear.gather [hbm4b:s8+s4], $0x80, $0x38;
	[tilespmem:$0x10E00] =	vst v63  }
0x1a3: {  	s8 =	smov.u32 s1;
	s0 =	smov.u32 s7;
	p0 =	sne.s32 s1, $0x6B0  }
.Ltmp32:
0x1a4: {  	s1 =	sadd.s32 $0x10, s1;
	(pc) =	sbr.rel @p0 .LBB2_66-.Ltmp32, $2  }
0x1a5: {  	_ =	sdelay $0x2  }
0x1a6: {  	s7 =	sadd.s32 $0x200, s7;
	s8 =	sadd.s32 s8, s24  }
0x1a7: {  	[tilespmem:s0], [sflag:$0x4] =	stream.linear.gather [hbm4b:s8+s4], $0x80, $0x38;
	[tilespmem:$0x10E00] =	vst v63  }
0x1a8: {  	s7 =	simm.s32 $0x3  }
0x1a9: {  	s26 =	simm.s32 $0x0;
	_ =	swait.ge [sflag:s7], $0x3600  }
0x1aa: {  	s1 =	sand.u32 $0x3F800, s26;
	[sflag:s7] =	ssyncset.done $0x0  }
0x1ab: {  	s31 =	sand.u32 $0x70, s26;
	s1 =	sshrl.u32 s1, $0x2;
	[sflag:s7] =	ssyncadd.s32 $0xFFFFCA00  }
0x1ac: {  	s8 =	sor.u32 s31, s1;
	v0 =	vld [tilespmem:s26+$0x0]  }
0x1ad: {  	v1 =	vld [tilespmem:s8+$0x3700];
	_ =	sdelay $0x4  }
0x1ae: {  	s0 =	simm.s32 $0x20;
	s1 =	simm.s32 $0x100;
	v0 =	vadd.f32 v0, v1  }
0x1af: {  	s13 =	simm.s32 $0x10;
	s7 =	simm.s32 $0x10;
	s15 =	sand.u32 $0x3F800, s1  }
.LBB2_68:
0x1b0: {  	p0 =	sne.s32 s0, $0x35F0;
	s7 =	sand.u32 $0x70, s7;
	s15 =	sshrl.u32 s15, $0x2;
	[tilespmem:s8+$0x3700] =	vst v0  }
0x1b1: {  	s8 =	sor.u32 s7, s15;
	v0 =	vld [tilespmem:s13+$0x0];
	s7 =	smov.u32 s0  }
0x1b2: {  	v1 =	vld [tilespmem:s8+$0x3700];
	_ =	sdelay $0x1  }
.Ltmp33:
0x1b3: {  	(pc) =	sbr.rel @p0 .LBB2_68-.Ltmp33, $3  }
0x1b4: {  	_ =	sdelay $0x1  }
0x1b5: {  	s1 =	sadd.s32 $0x100, s1;
	v0 =	vadd.f32 v0, v1  }
0x1b6: {  	s15 =	sand.u32 $0x3F800, s1;
	s0 =	sadd.s32 $0x10, s0;
	s13 =	sadd.s32 $0x10, s13  }
0x1b7: {  	s0 =	sand.u32 $0x70, s7;
	s1 =	sshrl.u32 s15, $0x2;
	[tilespmem:s8+$0x3700] =	vst v0  }
0x1b8: {  	s1 =	sor.u32 s0, s1;
	v0 =	vld [tilespmem:s13+$0x0]  }
0x1b9: {  	v1 =	vld [tilespmem:s1+$0x3700];
	_ =	sdelay $0x4  }
0x1ba: {  	v0 =	vadd.f32 v0, v1  }
0x1bb: {  	s8 =	sadd.s32 $0x0, s23  }
0x1bc: {  	s7 =	simm.s32 $0x3900;
	s0 =	simm.s32 $0x3700;
	[tilespmem:s1+$0x3700] =	vst v0;
	s1 =	simm.s32 $0x10  }
.LBB2_70:
0x1bd: {  	[hbm4b:s8+s4] =	stream.linear.scatter [tilespmem:s0], [sflag:$0x7], $0x80, $0x38;
	[tilespmem:$0x10E00] =	vst v63  }
0x1be: {  	s8 =	smov.u32 s1;
	s0 =	smov.u32 s7;
	p0 =	sne.s32 s1, $0x6B0  }
.Ltmp34:
0x1bf: {  	s1 =	sadd.s32 $0x10, s1;
	(pc) =	sbr.rel @p0 .LBB2_70-.Ltmp34, $2  }
0x1c0: {  	_ =	sdelay $0x2  }
0x1c1: {  	s7 =	sadd.s32 $0x200, s7;
	s8 =	sadd.s32 s8, s23  }
0x1c2: {  	[hbm4b:s8+s4] =	stream.linear.scatter [tilespmem:s0], [sflag:$0x7], $0x80, $0x38;
	[tilespmem:$0x10E00] =	vst v63  }
0x1c3: {  	s7 =	simm.s32 $0x4  }
0x1c4: {  	s26 =	simm.s32 $0x0;
	_ =	swait.ge [sflag:s7], $0x3600  }
0x1c5: {  	s1 =	sand.u32 $0x3F800, s26;
	[sflag:s7] =	ssyncset.done $0x0  }
0x1c6: {  	s31 =	sand.u32 $0x70, s26;
	s1 =	sshrl.u32 s1, $0x2;
	[sflag:s7] =	ssyncadd.s32 $0xFFFFCA00  }
0x1c7: {  	s8 =	sor.u32 s31, s1;
	v0 =	vld [tilespmem:s26+$0x0]  }
0x1c8: {  	v1 =	vld [tilespmem:s8+$0x3780];
	_ =	sdelay $0x4  }
0x1c9: {  	s0 =	simm.s32 $0x20;
	s1 =	simm.s32 $0x100;
	v0 =	vadd.f32 v0, v1  }
0x1ca: {  	s13 =	simm.s32 $0x10;
	s7 =	simm.s32 $0x10;
	s15 =	sand.u32 $0x3F800, s1  }
.LBB2_72:
0x1cb: {  	p0 =	sne.s32 s0, $0x35F0;
	s7 =	sand.u32 $0x70, s7;
	s15 =	sshrl.u32 s15, $0x2;
	[tilespmem:s8+$0x3780] =	vst v0  }
0x1cc: {  	s8 =	sor.u32 s7, s15;
	v0 =	vld [tilespmem:s13+$0x0];
	s7 =	smov.u32 s0  }
0x1cd: {  	v1 =	vld [tilespmem:s8+$0x3780];
	_ =	sdelay $0x1  }
.Ltmp35:
0x1ce: {  	(pc) =	sbr.rel @p0 .LBB2_72-.Ltmp35, $3  }
0x1cf: {  	_ =	sdelay $0x1  }
0x1d0: {  	s1 =	sadd.s32 $0x100, s1;
	v0 =	vadd.f32 v0, v1  }
0x1d1: {  	s15 =	sand.u32 $0x3F800, s1;
	s0 =	sadd.s32 $0x10, s0;
	s13 =	sadd.s32 $0x10, s13  }
0x1d2: {  	s0 =	sand.u32 $0x70, s7;
	s1 =	sshrl.u32 s15, $0x2;
	[tilespmem:s8+$0x3780] =	vst v0  }
0x1d3: {  	s1 =	sor.u32 s0, s1;
	v0 =	vld [tilespmem:s13+$0x0]  }
0x1d4: {  	v1 =	vld [tilespmem:s1+$0x3780];
	_ =	sdelay $0x4  }
0x1d5: {  	v0 =	vadd.f32 v0, v1  }
0x1d6: {  	s8 =	sadd.s32 $0x0, s25  }
0x1d7: {  	s7 =	simm.s32 $0x3980;
	s0 =	simm.s32 $0x3780;
	[tilespmem:s1+$0x3780] =	vst v0;
	s1 =	simm.s32 $0x10  }
.LBB2_74:
0x1d8: {  	[hbm4b:s8+s4] =	stream.linear.scatter [tilespmem:s0], [sflag:$0x8], $0x80, $0x38;
	[tilespmem:$0x10E00] =	vst v63  }
0x1d9: {  	s8 =	smov.u32 s1;
	s0 =	smov.u32 s7;
	p0 =	sne.s32 s1, $0x6B0  }
.Ltmp36:
0x1da: {  	s1 =	sadd.s32 $0x10, s1;
	(pc) =	sbr.rel @p0 .LBB2_74-.Ltmp36, $2  }
0x1db: {  	_ =	sdelay $0x2  }
0x1dc: {  	s7 =	sadd.s32 $0x200, s7;
	s8 =	sadd.s32 s8, s25  }
0x1dd: {  	[hbm4b:s8+s4] =	stream.linear.scatter [tilespmem:s0], [sflag:$0x8], $0x80, $0x38;
	[tilespmem:$0x10E00] =	vst v63  }
0x1de: {  	s26 =	simm.s32 $0x5  }
0x1df: {  	_ =	swait.ge [sflag:s26], $0x3600  }
0x1e0: {  	[sflag:s26] =	ssyncset.done $0x0  }
0x1e1: {  	[sflag:s26] =	ssyncadd.s32 $0xFFFFCA00  }
0x1e2: {  	_ =	swait.ge [sflag:s30], $0x3600  }
0x1e3: {  	[sflag:s30] =	ssyncset.done $0x0  }
0x1e4: {  	[sflag:s30] =	ssyncadd.s32 $0xFFFFCA00  }
0x1e5: {  	_ =	swait.ge [sflag:s3], $0x3600  }
0x1e6: {  	[sflag:s3] =	ssyncset.done $0x0  }
0x1e7: {  	[sflag:s3] =	ssyncadd.s32 $0xFFFFCA00  }
0x1e8: {  	_ =	swait.ge [sflag:s6], $0x3600  }
0x1e9: {  	s1 =	rddreg [dreg:$0xc]  }
0x1ea: {  	s31 =	rddreg [dreg:$0xb];
	s1 =	sadd.s32 $0x1, s1  }
0x1eb: {  	p0 =	sne.s32 s1, s31  }
.Ltmp37:
0x1ec: {  	_ = 	snop;
	(pc) =	sbr.rel @p0 .LBB2_1-.Ltmp37, $3  }
0x1ed: {  	_ =	sdelay $0x1  }
0x1ee: {  	[sflag:s6] =	ssyncset.done $0x0  }
0x1ef: {  	[sflag:s6] =	ssyncadd.s32 $0xFFFFCA00  }
0x1f0: {  	_ =	sfence.sel $0x180000  }
0x1f1: {  	[bflag:$0x0] =	sbarrier.arrive $0xFFFF  }
0x1f2: {  	_ =	strace $0x90000047  }
0x1f3: {  	s0 =	stileid.u32;
	[bflag:$0x2] =	sbarrier.arrive $0xFFFF  }
0x1f4: {  	p0 =	sne.s32 s0, $0x0;
	s0 =	rddreg [dreg:$0x2]  }
0x1f5: {  	s0 =	sadd.s32 @!p0 $0x100000, s0  }
0x1f6: {  	[sflag:s0] =	ssyncadd.tile.s32 @!p0 $0x1;
	_ =	shalt  }
.Lfunc_end2:
_tile_overlayer_lowered:
.L_overlay_start_2:
0x1f7: {  	(tag) =	ssettag $0x2  }
0x1f8: {  	s0 =	rddreg [dreg:$0x0];
	s2 =	stileid.u32  }
0x1f9: {  	s1 =	rddreg [dreg:$0x1];
	p0 =	sne.s32 s2, $0x0  }
0x1fa: {  	s3 =	rddreg [dreg:$0x2];
	[bflag:$0x3] =	sbarrier.arrive $0xFFFF;
	s2 =	simm.s32 @!p0 $0x1C09  }
0x1fb: {  	[timem:s3], [sflag:s2] =	dma.local @!p0 [hbm:s0], s1  }
0x1fc: {  	s0 =	simm.s32 @!p0 $0x9  }
0x1fd: {  	_ =	swait.ge @!p0 [sflag:s0], s1  }
0x1fe: {  	s1 =	ssub.s32 @!p0 $0x0, s1;
	[sflag:s0] =	ssyncset.done @!p0 $0x0  }
0x1ff: {  	[sflag:s0] =	ssyncadd.s32 @!p0 s1  }
0x200: {  	[bflag:$0x3] =	sbarrier.arrive $0xFFFF  }
0x201: {  	_ =	shalt  }

</sc_bundles>
